<compile_context>
chip_gen: v7x
topology: tpu7x:2x2x1
jax: 0.10.2.dev20260603
libtpu: 0.0.44.dev20260713+nightly
codegen_flags: <defaults>
</compile_context>

<pallas_src>
import functools

import jax
import jax.numpy as jnp
from jax import lax
from jax.experimental import pallas as pl
from jax.experimental.pallas import tpu as pltpu
from jax.experimental.pallas import tpu_sc as plsc

_LOW = 0.4
_HIGH = 0.75
_P = 128
_B1 = 20000
_B1P = 20480
_NC = _B1P // 128
_BIG = 2 ** 30


def _select_kernel(ibp_ref, tbp_ref, pos_ref, neg_ref, ptg_ref,
                   pb_ref, nb_ref, imax_ref, iidx_ref, ps_ref, ns_ref):
    lane = lax.broadcasted_iota(jnp.int32, (1, 128), 1)
    tgt_iota = lax.broadcasted_iota(jnp.int32, (128, 1), 0)

    tcx = tbp_ref[0]
    tcy = tbp_ref[1]
    tw = tbp_ref[2]
    th = tbp_ref[3]
    tx0 = tcx - tw * 0.5
    ty0 = tcy - th * 0.5
    tx1 = tcx + tw * 0.5
    ty1 = tcy + th * 0.5
    area_t = jnp.maximum(tx1 - tx0, 0.0) * jnp.maximum(ty1 - ty0, 0.0)

    def body1(c, carry):
        colmax, colidx = carry
        icx = ibp_ref[0, pl.ds(c, 1), :]
        icy = ibp_ref[1, pl.ds(c, 1), :]
        iw = ibp_ref[2, pl.ds(c, 1), :]
        ih = ibp_ref[3, pl.ds(c, 1), :]
        ix0 = icx - iw * 0.5
        iy0 = icy - ih * 0.5
        ix1 = icx + iw * 0.5
        iy1 = icy + ih * 0.5
        area_i = jnp.maximum(ix1 - ix0, 0.0) * jnp.maximum(iy1 - iy0, 0.0)
        x0 = jnp.maximum(ix0, tx0)
        y0 = jnp.maximum(iy0, ty0)
        x1 = jnp.minimum(ix1, tx1)
        y1 = jnp.minimum(iy1, ty1)
        inter = jnp.maximum(x1 - x0, 0.0) * jnp.maximum(y1 - y0, 0.0)
        union = area_i + area_t - inter
        iou = inter / jnp.maximum(union, 1e-8)
        im = jnp.max(iou, axis=0, keepdims=True)
        ia = jnp.min(jnp.where(iou == im, tgt_iota, jnp.int32(128)),
                     axis=0, keepdims=True)
        imax_ref[pl.ds(c, 1), :] = im
        iidx_ref[pl.ds(c, 1), :] = ia
        cm = jnp.max(iou, axis=1, keepdims=True)
        gidx = c * 128 + lane
        ca = jnp.min(jnp.where(iou == cm, gidx, _BIG), axis=1, keepdims=True)
        upd = cm > colmax
        return jnp.where(upd, cm, colmax), jnp.where(upd, ca, colidx)

    colmax0 = jnp.full((128, 1), -1.0, jnp.float32)
    colidx0 = jnp.zeros((128, 1), jnp.int32)
    _, colidx = lax.fori_loop(0, _NC, body1, (colmax0, colidx0))

    def body2(c, _):
        gidx = c * 128 + lane
        im = imax_ref[pl.ds(c, 1), :]
        mem = jnp.any(colidx == gidx, axis=0, keepdims=True)
        posm = (im >= _HIGH) | mem
        negm = (im < _LOW) & jnp.logical_not(posm)
        valid = gidx < _B1
        ps = jnp.where(valid, jnp.where(posm, im, -1.0), -2.0)
        ns = jnp.where(valid, jnp.where(negm, 1.0 - im, -1.0), -2.0)
        ps_ref[pl.ds(c, 1), :] = ps
        ns_ref[pl.ds(c, 1), :] = ns
        return 0

    lax.fori_loop(0, _NC, body2, 0)

    gidx_all = (lax.broadcasted_iota(jnp.int32, (_NC, 128), 0) * 128
                + lax.broadcasted_iota(jnp.int32, (_NC, 128), 1))

    def body3(i, carry):
        pacc, nacc, tacc, pbox, nbox = carry
        sel = lane == i
        ps = ps_ref[...]
        m = jnp.max(ps)
        w = jnp.min(jnp.where(ps == m, gidx_all, _BIG))
        row = w // 128
        lane_eq = lane == (w - row * 128)
        tv = jnp.max(jnp.where(lane_eq, iidx_ref[pl.ds(row, 1), :],
                               jnp.int32(-1)))
        ps_ref[pl.ds(row, 1), :] = jnp.where(lane_eq, -3.0,
                                             ps_ref[pl.ds(row, 1), :])
        pbox = [jnp.where(sel,
                          jnp.max(jnp.where(lane_eq,
                                            ibp_ref[k, pl.ds(row, 1), :],
                                            -1e30)), pbox[k])
                for k in range(4)]
        ns = ns_ref[...]
        m2 = jnp.max(ns)
        w2 = jnp.min(jnp.where(ns == m2, gidx_all, _BIG))
        row2 = w2 // 128
        lane_eq2 = lane == (w2 - row2 * 128)
        ns_ref[pl.ds(row2, 1), :] = jnp.where(lane_eq2, -3.0,
                                              ns_ref[pl.ds(row2, 1), :])
        nbox = [jnp.where(sel,
                          jnp.max(jnp.where(lane_eq2,
                                            ibp_ref[k, pl.ds(row2, 1), :],
                                            -1e30)), nbox[k])
                for k in range(4)]
        return (jnp.where(sel, w, pacc), jnp.where(sel, w2, nacc),
                jnp.where(sel, tv, tacc), pbox, nbox)

    z = jnp.zeros((1, 128), jnp.int32)
    zf = [jnp.zeros((1, 128), jnp.float32) for _ in range(4)]
    pacc, nacc, tacc, pbox, nbox = lax.fori_loop(
        0, _P, body3, (z, z, z, zf, zf))
    pos_ref[...] = pacc
    neg_ref[...] = nacc
    ptg_ref[...] = tacc
    for k in range(4):
        pb_ref[pl.ds(k, 1), :] = pbox[k]
        nb_ref[pl.ds(k, 1), :] = nbox[k]


def _select(ibp, tbp):
    return pl.pallas_call(
        _select_kernel,
        out_shape=[jax.ShapeDtypeStruct((1, 128), jnp.int32)] * 3
        + [jax.ShapeDtypeStruct((4, 128), jnp.float32)] * 2,
        scratch_shapes=[
            pltpu.VMEM((_NC, 128), jnp.float32),
            pltpu.VMEM((_NC, 128), jnp.int32),
            pltpu.VMEM((_NC, 128), jnp.float32),
            pltpu.VMEM((_NC, 128), jnp.float32),
        ],
    )(ibp, tbp)


def _gather_body(feats, ttab, pos_idx, ptg_idx, pos_data_o, tgt_o,
                 idx8, rfeat, rtgt, sem):
    wid = lax.axis_index("s") * 2 + lax.axis_index("c")

    @pl.when(wid < 16)
    def _():
        base = wid * 8
        pltpu.sync_copy(pos_idx.at[pl.ds(base, 8)], idx8)
        pltpu.async_copy(feats.at[idx8], rfeat, sem).wait()
        pltpu.sync_copy(rfeat, pos_data_o.at[pl.ds(base, 8)])

    @pl.when(wid >= 16)
    def _():
        base = (wid - 16) * 8
        pltpu.sync_copy(ptg_idx.at[pl.ds(base, 8)], idx8)
        pltpu.async_copy(ttab.at[idx8], rtgt, sem).wait()
        pltpu.sync_copy(rtgt, tgt_o.at[pl.ds(base, 8)])


def _gather_kernel(inf, ttab, pos_i, ptg_i):
    mesh = plsc.VectorSubcoreMesh(core_axis_name="c", subcore_axis_name="s")
    k = pl.kernel(
        _gather_body,
        mesh=mesh,
        out_type=[
            jax.ShapeDtypeStruct((128, 256), jnp.float32),
            jax.ShapeDtypeStruct((128, 128), jnp.float32),
        ],
        scratch_types=[
            pltpu.VMEM((8,), jnp.int32),
            pltpu.VMEM((8, 256), jnp.float32),
            pltpu.VMEM((8, 128), jnp.float32),
            pltpu.SemaphoreType.DMA,
        ],
    )
    return k(inf, ttab, pos_i, ptg_i)


@jax.jit
def kernel(input_boxes, input_feats, target_boxes, target_feats):
    ib = input_boxes[0]
    tb = target_boxes[0]
    inf = input_feats[0]
    tgf = target_feats[0]
    ibp = jnp.pad(ib, ((0, _B1P - _B1), (0, 0))).T.reshape(4, _NC, 128)
    tbp = tb.T.reshape(4, 128, 1)
    pos, neg, ptg, pb, nb = _select(ibp, tbp)
    pos_i = pos.reshape(128)
    ptg_i = ptg.reshape(128)
    ttab = jnp.pad(jnp.concatenate([tb, tgf], axis=1), ((0, 0), (0, 60)))
    pos_d, tgt_rows = _gather_kernel(inf, ttab, pos_i, ptg_i)
    return (pb.T, pos_d, tgt_rows[:, :4], tgt_rows[:, 4:68], nb.T)

# --- scband reference (transcript-rebuilt; emitter-appended) ---
"""Pipeline reference for scband-box-sampler-helper-13511967113279 (READ-ONLY COPY).

The authoritative reference and input builder live on the scoring server;
editing this copy changes nothing except your own understanding.
"""

import jax, jax.numpy as jnp
import numpy as np

LOW_THRESH = 0.4
HIGH_THRESH = 0.75
BATCH_SIZE = 256
P = BATCH_SIZE // 2
M = BATCH_SIZE // 2


def _cxcywh_to_xyxy(b):
    xc, yc, w, h = b[..., 0], b[..., 1], b[..., 2], b[..., 3]
    return jnp.stack([xc - w / 2, yc - h / 2, xc + w / 2, yc + h / 2], axis=-1)


def _box_iou(a, b):
    # a: (B1, 4) xyxy, b: (B2, 4) xyxy -> (B1, B2)
    area_a = jnp.clip(a[:, 2] - a[:, 0], 0) * jnp.clip(a[:, 3] - a[:, 1], 0)
    area_b = jnp.clip(b[:, 2] - b[:, 0], 0) * jnp.clip(b[:, 3] - b[:, 1], 0)
    x0 = jnp.maximum(a[:, None, 0], b[None, :, 0])
    y0 = jnp.maximum(a[:, None, 1], b[None, :, 1])
    x1 = jnp.minimum(a[:, None, 2], b[None, :, 2])
    y1 = jnp.minimum(a[:, None, 3], b[None, :, 3])
    inter = jnp.clip(x1 - x0, 0) * jnp.clip(y1 - y0, 0)
    union = area_a[:, None] + area_b[None, :] - inter
    return inter / jnp.maximum(union, 1e-8)


def setup_inputs(seed: int = 0) -> dict:
    key = jax.random.key(seed)
    k1, k2, k3, k4, k5, k6, k7, k8 = jax.random.split(key, 8)
    B1, B2, Din, Dtg = 20000, 128, 256, 64
    in_xy = jax.random.uniform(k1, (1, B1, 2), minval=0.0, maxval=512.0)
    in_wh = jax.random.uniform(k2, (1, B1, 2), minval=16.0, maxval=96.0)
    input_boxes = jnp.concatenate([in_xy, in_wh], axis=-1).astype(jnp.float32)
    tg_xy = jax.random.uniform(k3, (1, B2, 2), minval=0.0, maxval=512.0)
    tg_wh = jax.random.uniform(k4, (1, B2, 2), minval=16.0, maxval=96.0)
    target_boxes = jnp.concatenate([tg_xy, tg_wh], axis=-1).astype(jnp.float32)
    input_feats = jax.random.normal(k5, (1, B1, Din), dtype=jnp.float32)
    target_feats = jax.random.normal(k6, (1, B2, Dtg), dtype=jnp.float32)
    return {
        "input_boxes": input_boxes,
        "input_feats": input_feats,
        "target_boxes": target_boxes,
        "target_feats": target_feats,
    }


def reference(input_boxes, input_feats, target_boxes, target_feats):
    # BoxSamplerHelper.forward with a DenseCap-style BoxSampler inside.
    # Minibatch N == 1 (asserted in original module).
    ib = input_boxes[0]          # (B1, 4) cxcywh
    tb = target_boxes[0]         # (B2, 4) cxcywh
    inf = input_feats[0]         # (B1, Din)
    tgf = target_feats[0]        # (B2, Dtg)

    ious = _box_iou(_cxcywh_to_xyxy(ib), _cxcywh_to_xyxy(tb))  # (B1, B2)
    input_max_iou = jnp.max(ious, axis=1)      # (B1,)
    input_idx = jnp.argmax(ious, axis=1)       # (B1,) best target per input box
    target_idx = jnp.argmax(ious, axis=0)      # (B2,) best input box per target

    pos_mask = input_max_iou >= HIGH_THRESH
    pos_mask = pos_mask.at[target_idx].set(True)   # each target's best box is positive
    neg_mask = (input_max_iou < LOW_THRESH) & (~pos_mask)

    # Deterministic sampling: top-P positives by IoU, top-M negatives by (1 - IoU).
    pos_score = jnp.where(pos_mask, input_max_iou, -1.0)
    _, pos_input_idx = jax.lax.top_k(pos_score, P)
    neg_score = jnp.where(neg_mask, 1.0 - input_max_iou, -1.0)
    _, neg_input_idx = jax.lax.top_k(neg_score, M)

    pos_target_idx = input_idx[pos_input_idx]  # (P,)

    # Gather parallel data (pos list, target list, neg list)
    pos_boxes = ib[pos_input_idx]              # (P, 4)
    pos_data = inf[pos_input_idx]              # (P, Din)
    tgt_boxes = tb[pos_target_idx]             # (P, 4)
    tgt_data = tgf[pos_target_idx]             # (P, Dtg)
    neg_boxes = ib[neg_input_idx]              # (M, 4)
    return (pos_boxes, pos_data, tgt_boxes, tgt_data, neg_boxes)

if __name__ == "__main__":
    import jax
    _d = setup_inputs()
    print(jax.jit(kernel)(*tuple(_d.values())))

</pallas_src>

<mosaic_0001>
#map = affine_map<(d0, d1) -> (0, 0)>
#map1 = affine_map<(d0, d1) -> (0)>
module attributes {stable_mosaic.version = 14 : i64} {
  func.func @_gather_body(%arg0: i32, %arg1: i32, %arg2: memref<20000x256xf32, #tpu.memory_space<hbm>>, %arg3: memref<128x128xf32, #tpu.memory_space<hbm>>, %arg4: memref<128xi32, #tpu.memory_space<hbm>>, %arg5: memref<128xi32, #tpu.memory_space<hbm>>, %arg6: memref<128x256xf32, #tpu.memory_space<hbm>>, %arg7: memref<128x128xf32, #tpu.memory_space<hbm>>, %arg8: memref<8xi32, #tpu.memory_space<vmem>>, %arg9: memref<8x256xf32, #tpu.memory_space<vmem>>, %arg10: memref<8x128xf32, #tpu.memory_space<vmem>>, %arg11: memref<!tpu.dma_semaphore, #tpu.memory_space<semaphore_mem>>) attributes {dimension_semantics = [#tpu.dimension_semantics<core_parallel>, #tpu.dimension_semantics<subcore_parallel>], iteration_bounds = array<i64: 2, 16>, scalar_prefetch = 0 : i64, scratch_operands = 4 : i64, tpu.core_type = #tpu.core_type<sc_vector_subcore>, window_params = [{transform_indices = #map}, {transform_indices = #map}, {transform_indices = #map1}, {transform_indices = #map1}, {transform_indices = #map}, {transform_indices = #map}]} {
    %mul3A = arith.constant 2 : i32
    %mul3A_0 = arith.muli %arg1, %mul3A : i32
    %add3A = arith.addi %mul3A_0, %arg0 : i32
    %lt3A = arith.constant 16 : i32
    %lt3A_1 = arith.cmpi slt, %add3A, %lt3A : i32
    %convert_element_type3A = arith.extui %lt3A_1 : i1 to i32
    %cond3A = arith.constant 0 : i32
    %cond3A_2 = arith.cmpi ne, %convert_element_type3A, %cond3A : i32
    scf.if %cond3A_2 {
      %mul3A_7 = arith.constant 8 : i32
      %mul3A_8 = arith.muli %add3A, %mul3A_7 : i32
      "tpu.region"() ({
        %run_scoped3A = tpu.sem_alloc : memref<!tpu.dma_semaphore, #tpu.memory_space<semaphore_mem>>
        %dma_start3A_13 = tpu.memref_slice %arg4[%mul3A_8] : memref<128xi32, #tpu.memory_space<hbm>> -> memref<8xi32, #tpu.memory_space<hbm>>
        %dma_start3A_14 = tpu.memref_slice %arg4[%mul3A_8] : memref<128xi32, #tpu.memory_space<hbm>> -> memref<8xi32, #tpu.memory_space<hbm>>
        tpu.enqueue_dma source(%dma_start3A_14 : memref<8xi32, #tpu.memory_space<hbm>>) target(%arg8 : memref<8xi32, #tpu.memory_space<vmem>>) target_semaphore(%run_scoped3A : memref<!tpu.dma_semaphore, #tpu.memory_space<semaphore_mem>>)
        %dma_wait3A_15 = tpu.memref_slice %arg4[%mul3A_8] : memref<128xi32, #tpu.memory_space<hbm>> -> memref<8xi32, #tpu.memory_space<hbm>>
        %dma_wait3A_16 = tpu.memref_slice %arg4[%mul3A_8] : memref<128xi32, #tpu.memory_space<hbm>> -> memref<8xi32, #tpu.memory_space<hbm>>
        tpu.wait_dma2 semaphore(%run_scoped3A : memref<!tpu.dma_semaphore, #tpu.memory_space<semaphore_mem>>) src(%dma_wait3A_16 : memref<8xi32, #tpu.memory_space<hbm>>) dst(%arg8 : memref<8xi32, #tpu.memory_space<vmem>>)
        tpu.yield
      }) : () -> ()
      %dma_start3A = arith.constant 0 : i32
      %dma_start3A_9 = arith.constant 0 : i32
      %dma_start3A_10 = tpu.memref_slice %arg2[%dma_start3A, %dma_start3A_9] : memref<20000x256xf32, #tpu.memory_space<hbm>> -> memref<20000x256xf32, #tpu.memory_space<hbm>>
      tpu.enqueue_indirect_dma source(%dma_start3A_10 : memref<20000x256xf32, #tpu.memory_space<hbm>>) target(%arg9 : memref<8x256xf32, #tpu.memory_space<vmem>>) offsets(%arg8 : memref<8xi32, #tpu.memory_space<vmem>>) semaphore(%arg11 : memref<!tpu.dma_semaphore, #tpu.memory_space<semaphore_mem>>)
      %dma_wait3A = arith.constant 0 : i32
      %dma_wait3A_11 = arith.constant 0 : i32
      %dma_wait3A_12 = tpu.memref_slice %arg2[%dma_wait3A, %dma_wait3A_11] : memref<20000x256xf32, #tpu.memory_space<hbm>> -> memref<20000x256xf32, #tpu.memory_space<hbm>>
      tpu.wait_indirect_dma semaphore(%arg11 : memref<!tpu.dma_semaphore, #tpu.memory_space<semaphore_mem>>) src(%dma_wait3A_12 : memref<20000x256xf32, #tpu.memory_space<hbm>>) dst(%arg9 : memref<8x256xf32, #tpu.memory_space<vmem>>)
      "tpu.region"() ({
        %run_scoped3A = tpu.sem_alloc : memref<!tpu.dma_semaphore, #tpu.memory_space<semaphore_mem>>
        %dma_start3A_13 = arith.constant 0 : i32
        %dma_start3A_14 = tpu.memref_slice %arg6[%mul3A_8, %dma_start3A_13] : memref<128x256xf32, #tpu.memory_space<hbm>> -> memref<8x256xf32, #tpu.memory_space<hbm>>
        %dma_start3A_15 = arith.constant 0 : i32
        %dma_start3A_16 = tpu.memref_slice %arg6[%mul3A_8, %dma_start3A_15] : memref<128x256xf32, #tpu.memory_space<hbm>> -> memref<8x256xf32, #tpu.memory_space<hbm>>
        tpu.enqueue_dma source(%arg9 : memref<8x256xf32, #tpu.memory_space<vmem>>) target(%dma_start3A_16 : memref<8x256xf32, #tpu.memory_space<hbm>>) target_semaphore(%run_scoped3A : memref<!tpu.dma_semaphore, #tpu.memory_space<semaphore_mem>>)
        %dma_wait3A_17 = arith.constant 0 : i32
        %dma_wait3A_18 = tpu.memref_slice %arg6[%mul3A_8, %dma_wait3A_17] : memref<128x256xf32, #tpu.memory_space<hbm>> -> memref<8x256xf32, #tpu.memory_space<hbm>>
        %dma_wait3A_19 = arith.constant 0 : i32
        %dma_wait3A_20 = tpu.memref_slice %arg6[%mul3A_8, %dma_wait3A_19] : memref<128x256xf32, #tpu.memory_space<hbm>> -> memref<8x256xf32, #tpu.memory_space<hbm>>
        tpu.wait_dma2 semaphore(%run_scoped3A : memref<!tpu.dma_semaphore, #tpu.memory_space<semaphore_mem>>) src(%arg9 : memref<8x256xf32, #tpu.memory_space<vmem>>) dst(%dma_wait3A_20 : memref<8x256xf32, #tpu.memory_space<hbm>>)
        tpu.yield
      }) : () -> ()
    } else {
    }
    %ge3A = arith.constant 16 : i32
    %ge3A_3 = arith.cmpi sge, %add3A, %ge3A : i32
    %convert_element_type3A_4 = arith.extui %ge3A_3 : i1 to i32
    %cond3A_5 = arith.constant 0 : i32
    %cond3A_6 = arith.cmpi ne, %convert_element_type3A_4, %cond3A_5 : i32
    scf.if %cond3A_6 {
      %sub3A = arith.constant 16 : i32
      %sub3A_7 = arith.subi %add3A, %sub3A : i32
      %mul3A_8 = arith.constant 8 : i32
      %mul3A_9 = arith.muli %sub3A_7, %mul3A_8 : i32
      "tpu.region"() ({
        %run_scoped3A = tpu.sem_alloc : memref<!tpu.dma_semaphore, #tpu.memory_space<semaphore_mem>>
        %dma_start3A_14 = tpu.memref_slice %arg5[%mul3A_9] : memref<128xi32, #tpu.memory_space<hbm>> -> memref<8xi32, #tpu.memory_space<hbm>>
        %dma_start3A_15 = tpu.memref_slice %arg5[%mul3A_9] : memref<128xi32, #tpu.memory_space<hbm>> -> memref<8xi32, #tpu.memory_space<hbm>>
        tpu.enqueue_dma source(%dma_start3A_15 : memref<8xi32, #tpu.memory_space<hbm>>) target(%arg8 : memref<8xi32, #tpu.memory_space<vmem>>) target_semaphore(%run_scoped3A : memref<!tpu.dma_semaphore, #tpu.memory_space<semaphore_mem>>)
        %dma_wait3A_16 = tpu.memref_slice %arg5[%mul3A_9] : memref<128xi32, #tpu.memory_space<hbm>> -> memref<8xi32, #tpu.memory_space<hbm>>
        %dma_wait3A_17 = tpu.memref_slice %arg5[%mul3A_9] : memref<128xi32, #tpu.memory_space<hbm>> -> memref<8xi32, #tpu.memory_space<hbm>>
        tpu.wait_dma2 semaphore(%run_scoped3A : memref<!tpu.dma_semaphore, #tpu.memory_space<semaphore_mem>>) src(%dma_wait3A_17 : memref<8xi32, #tpu.memory_space<hbm>>) dst(%arg8 : memref<8xi32, #tpu.memory_space<vmem>>)
        tpu.yield
      }) : () -> ()
      %dma_start3A = arith.constant 0 : i32
      %dma_start3A_10 = arith.constant 0 : i32
      %dma_start3A_11 = tpu.memref_slice %arg3[%dma_start3A, %dma_start3A_10] : memref<128x128xf32, #tpu.memory_space<hbm>> -> memref<128x128xf32, #tpu.memory_space<hbm>>
      tpu.enqueue_indirect_dma source(%dma_start3A_11 : memref<128x128xf32, #tpu.memory_space<hbm>>) target(%arg10 : memref<8x128xf32, #tpu.memory_space<vmem>>) offsets(%arg8 : memref<8xi32, #tpu.memory_space<vmem>>) semaphore(%arg11 : memref<!tpu.dma_semaphore, #tpu.memory_space<semaphore_mem>>)
      %dma_wait3A = arith.constant 0 : i32
      %dma_wait3A_12 = arith.constant 0 : i32
      %dma_wait3A_13 = tpu.memref_slice %arg3[%dma_wait3A, %dma_wait3A_12] : memref<128x128xf32, #tpu.memory_space<hbm>> -> memref<128x128xf32, #tpu.memory_space<hbm>>
      tpu.wait_indirect_dma semaphore(%arg11 : memref<!tpu.dma_semaphore, #tpu.memory_space<semaphore_mem>>) src(%dma_wait3A_13 : memref<128x128xf32, #tpu.memory_space<hbm>>) dst(%arg10 : memref<8x128xf32, #tpu.memory_space<vmem>>)
      "tpu.region"() ({
        %run_scoped3A = tpu.sem_alloc : memref<!tpu.dma_semaphore, #tpu.memory_space<semaphore_mem>>
        %dma_start3A_14 = arith.constant 0 : i32
        %dma_start3A_15 = tpu.memref_slice %arg7[%mul3A_9, %dma_start3A_14] : memref<128x128xf32, #tpu.memory_space<hbm>> -> memref<8x128xf32, #tpu.memory_space<hbm>>
        %dma_start3A_16 = arith.constant 0 : i32
        %dma_start3A_17 = tpu.memref_slice %arg7[%mul3A_9, %dma_start3A_16] : memref<128x128xf32, #tpu.memory_space<hbm>> -> memref<8x128xf32, #tpu.memory_space<hbm>>
        tpu.enqueue_dma source(%arg10 : memref<8x128xf32, #tpu.memory_space<vmem>>) target(%dma_start3A_17 : memref<8x128xf32, #tpu.memory_space<hbm>>) target_semaphore(%run_scoped3A : memref<!tpu.dma_semaphore, #tpu.memory_space<semaphore_mem>>)
        %dma_wait3A_18 = arith.constant 0 : i32
        %dma_wait3A_19 = tpu.memref_slice %arg7[%mul3A_9, %dma_wait3A_18] : memref<128x128xf32, #tpu.memory_space<hbm>> -> memref<8x128xf32, #tpu.memory_space<hbm>>
        %dma_wait3A_20 = arith.constant 0 : i32
        %dma_wait3A_21 = tpu.memref_slice %arg7[%mul3A_9, %dma_wait3A_20] : memref<128x128xf32, #tpu.memory_space<hbm>> -> memref<8x128xf32, #tpu.memory_space<hbm>>
        tpu.wait_dma2 semaphore(%run_scoped3A : memref<!tpu.dma_semaphore, #tpu.memory_space<semaphore_mem>>) src(%arg10 : memref<8x128xf32, #tpu.memory_space<vmem>>) dst(%dma_wait3A_21 : memref<8x128xf32, #tpu.memory_space<hbm>>)
        tpu.yield
      }) : () -> ()
    } else {
    }
    return
  }
}

module attributes {stable_mosaic.version = 14 : i64} {
  func.func @_select_kernel(%arg0: memref<4x160x128xf32, #tpu.memory_space<vmem>>, %arg1: memref<4x128x1xf32, #tpu.memory_space<vmem>>, %arg2: memref<1x128xi32, #tpu.memory_space<vmem>>, %arg3: memref<1x128xi32, #tpu.memory_space<vmem>>, %arg4: memref<1x128xi32, #tpu.memory_space<vmem>>, %arg5: memref<4x128xf32, #tpu.memory_space<vmem>>, %arg6: memref<4x128xf32, #tpu.memory_space<vmem>>, %arg7: memref<160x128xf32, #tpu.memory_space<vmem>>, %arg8: memref<160x128xi32, #tpu.memory_space<vmem>>, %arg9: memref<160x128xf32, #tpu.memory_space<vmem>>, %arg10: memref<160x128xf32, #tpu.memory_space<vmem>>) attributes {dimension_semantics = [], scalar_prefetch = 0 : i64, scratch_operands = 4 : i64, tpu.core_type = #tpu.core_type<tc>} {
    %iota3A = tpu.iota {dimensions = array<i32: 1>} : vector<1x128xi32>
    %iota3A_0 = tpu.iota {dimensions = array<i32: 0>} : vector<128x1xi32>
    %get3A = arith.constant 0 : index
    %get3A_1 = arith.constant 0 : index
    %get3A_2 = arith.constant 0 : index
    %get3A_3 = vector.load %arg1[%get3A, %get3A_1, %get3A_2] : memref<4x128x1xf32, #tpu.memory_space<vmem>>, vector<1x128x1xf32>
    %get3A_4 = vector.shape_cast %get3A_3 : vector<1x128x1xf32> to vector<128x1xf32>
    %get3A_5 = arith.constant 1 : index
    %get3A_6 = arith.constant 0 : index
    %get3A_7 = arith.constant 0 : index
    %get3A_8 = vector.load %arg1[%get3A_5, %get3A_6, %get3A_7] : memref<4x128x1xf32, #tpu.memory_space<vmem>>, vector<1x128x1xf32>
    %get3A_9 = vector.shape_cast %get3A_8 : vector<1x128x1xf32> to vector<128x1xf32>
    %get3A_10 = arith.constant 2 : index
    %get3A_11 = arith.constant 0 : index
    %get3A_12 = arith.constant 0 : index
    %get3A_13 = vector.load %arg1[%get3A_10, %get3A_11, %get3A_12] : memref<4x128x1xf32, #tpu.memory_space<vmem>>, vector<1x128x1xf32>
    %get3A_14 = vector.shape_cast %get3A_13 : vector<1x128x1xf32> to vector<128x1xf32>
    %get3A_15 = arith.constant 3 : index
    %get3A_16 = arith.constant 0 : index
    %get3A_17 = arith.constant 0 : index
    %get3A_18 = vector.load %arg1[%get3A_15, %get3A_16, %get3A_17] : memref<4x128x1xf32, #tpu.memory_space<vmem>>, vector<1x128x1xf32>
    %get3A_19 = vector.shape_cast %get3A_18 : vector<1x128x1xf32> to vector<128x1xf32>
    %mul3A = arith.constant 5.000000e-01 : f32
    %mul3A_20 = vector.broadcast %mul3A : f32 to vector<128x1xf32>
    %mul3A_21 = arith.mulf %get3A_14, %mul3A_20 : vector<128x1xf32>
    %sub3A = arith.subf %get3A_4, %mul3A_21 : vector<128x1xf32>
    %mul3A_22 = arith.constant 5.000000e-01 : f32
    %mul3A_23 = vector.broadcast %mul3A_22 : f32 to vector<128x1xf32>
    %mul3A_24 = arith.mulf %get3A_19, %mul3A_23 : vector<128x1xf32>
    %sub3A_25 = arith.subf %get3A_9, %mul3A_24 : vector<128x1xf32>
    %mul3A_26 = arith.constant 5.000000e-01 : f32
    %mul3A_27 = vector.broadcast %mul3A_26 : f32 to vector<128x1xf32>
    %mul3A_28 = arith.mulf %get3A_14, %mul3A_27 : vector<128x1xf32>
    %add3A = arith.addf %get3A_4, %mul3A_28 : vector<128x1xf32>
    %mul3A_29 = arith.constant 5.000000e-01 : f32
    %mul3A_30 = vector.broadcast %mul3A_29 : f32 to vector<128x1xf32>
    %mul3A_31 = arith.mulf %get3A_19, %mul3A_30 : vector<128x1xf32>
    %add3A_32 = arith.addf %get3A_9, %mul3A_31 : vector<128x1xf32>
    %sub3A_33 = arith.subf %add3A, %sub3A : vector<128x1xf32>
    %max3A = arith.constant 0.000000e+00 : f32
    %max3A_34 = vector.broadcast %max3A : f32 to vector<128x1xf32>
    %max3A_35 = arith.maximumf %sub3A_33, %max3A_34 : vector<128x1xf32>
    %sub3A_36 = arith.subf %add3A_32, %sub3A_25 : vector<128x1xf32>
    %max3A_37 = arith.constant 0.000000e+00 : f32
    %max3A_38 = vector.broadcast %max3A_37 : f32 to vector<128x1xf32>
    %max3A_39 = arith.maximumf %sub3A_36, %max3A_38 : vector<128x1xf32>
    %mul3A_40 = arith.mulf %max3A_35, %max3A_39 : vector<128x1xf32>
    %broadcast_in_dim3A = arith.constant -1.000000e+00 : f32
    %broadcast_in_dim3A_41 = vector.broadcast %broadcast_in_dim3A : f32 to vector<128x1xf32>
    %broadcast_in_dim3A_42 = arith.constant 0 : i32
    %broadcast_in_dim3A_43 = vector.broadcast %broadcast_in_dim3A_42 : i32 to vector<128x1xi32>
    %scan3A = arith.constant 0 : i32
    %scan3A_44 = arith.constant 160 : i32
    %scan3A_45 = arith.addi %scan3A, %scan3A_44 : i32
    %scan3A_46 = arith.constant 1 : i32
    %scan3A_47:2 = scf.for %scan3A_108 = %scan3A to %scan3A_45 step %scan3A_46 iter_args(%scan3A_109 = %broadcast_in_dim3A_41, %scan3A_110 = %broadcast_in_dim3A_43) -> (vector<128x1xf32>, vector<128x1xi32>)  : i32 {
      %get3A_111 = arith.constant 0 : index
      %get3A_112 = arith.index_cast %scan3A_108 : i32 to index
      %get3A_113 = arith.constant 0 : index
      %get3A_114 = vector.load %arg0[%get3A_111, %get3A_112, %get3A_113] : memref<4x160x128xf32, #tpu.memory_space<vmem>>, vector<1x1x128xf32>
      %get3A_115 = vector.shape_cast %get3A_114 : vector<1x1x128xf32> to vector<1x128xf32>
      %get3A_116 = arith.constant 1 : index
      %get3A_117 = arith.index_cast %scan3A_108 : i32 to index
      %get3A_118 = arith.constant 0 : index
      %get3A_119 = vector.load %arg0[%get3A_116, %get3A_117, %get3A_118] : memref<4x160x128xf32, #tpu.memory_space<vmem>>, vector<1x1x128xf32>
      %get3A_120 = vector.shape_cast %get3A_119 : vector<1x1x128xf32> to vector<1x128xf32>
      %get3A_121 = arith.constant 2 : index
      %get3A_122 = arith.index_cast %scan3A_108 : i32 to index
      %get3A_123 = arith.constant 0 : index
      %get3A_124 = vector.load %arg0[%get3A_121, %get3A_122, %get3A_123] : memref<4x160x128xf32, #tpu.memory_space<vmem>>, vector<1x1x128xf32>
      %get3A_125 = vector.shape_cast %get3A_124 : vector<1x1x128xf32> to vector<1x128xf32>
      %get3A_126 = arith.constant 3 : index
      %get3A_127 = arith.index_cast %scan3A_108 : i32 to index
      %get3A_128 = arith.constant 0 : index
      %get3A_129 = vector.load %arg0[%get3A_126, %get3A_127, %get3A_128] : memref<4x160x128xf32, #tpu.memory_space<vmem>>, vector<1x1x128xf32>
      %get3A_130 = vector.shape_cast %get3A_129 : vector<1x1x128xf32> to vector<1x128xf32>
      %mul3A_131 = arith.constant 5.000000e-01 : f32
      %mul3A_132 = vector.broadcast %mul3A_131 : f32 to vector<1x128xf32>
      %mul3A_133 = arith.mulf %get3A_125, %mul3A_132 : vector<1x128xf32>
      %sub3A_134 = arith.subf %get3A_115, %mul3A_133 : vector<1x128xf32>
      %mul3A_135 = arith.constant 5.000000e-01 : f32
      %mul3A_136 = vector.broadcast %mul3A_135 : f32 to vector<1x128xf32>
      %mul3A_137 = arith.mulf %get3A_130, %mul3A_136 : vector<1x128xf32>
      %sub3A_138 = arith.subf %get3A_120, %mul3A_137 : vector<1x128xf32>
      %mul3A_139 = arith.constant 5.000000e-01 : f32
      %mul3A_140 = vector.broadcast %mul3A_139 : f32 to vector<1x128xf32>
      %mul3A_141 = arith.mulf %get3A_125, %mul3A_140 : vector<1x128xf32>
      %add3A_142 = arith.addf %get3A_115, %mul3A_141 : vector<1x128xf32>
      %mul3A_143 = arith.constant 5.000000e-01 : f32
      %mul3A_144 = vector.broadcast %mul3A_143 : f32 to vector<1x128xf32>
      %mul3A_145 = arith.mulf %get3A_130, %mul3A_144 : vector<1x128xf32>
      %add3A_146 = arith.addf %get3A_120, %mul3A_145 : vector<1x128xf32>
      %sub3A_147 = arith.subf %add3A_142, %sub3A_134 : vector<1x128xf32>
      %max3A_148 = arith.constant 0.000000e+00 : f32
      %max3A_149 = vector.broadcast %max3A_148 : f32 to vector<1x128xf32>
      %max3A_150 = arith.maximumf %sub3A_147, %max3A_149 : vector<1x128xf32>
      %sub3A_151 = arith.subf %add3A_146, %sub3A_138 : vector<1x128xf32>
      %max3A_152 = arith.constant 0.000000e+00 : f32
      %max3A_153 = vector.broadcast %max3A_152 : f32 to vector<1x128xf32>
      %max3A_154 = arith.maximumf %sub3A_151, %max3A_153 : vector<1x128xf32>
      %mul3A_155 = arith.mulf %max3A_150, %max3A_154 : vector<1x128xf32>
      %max3A_156 = vector.broadcast %sub3A_134 : vector<1x128xf32> to vector<128x128xf32>
      %max3A_157 = vector.broadcast %sub3A : vector<128x1xf32> to vector<128x128xf32>
      %max3A_158 = arith.maximumf %max3A_156, %max3A_157 : vector<128x128xf32>
      %max3A_159 = vector.broadcast %sub3A_138 : vector<1x128xf32> to vector<128x128xf32>
      %max3A_160 = vector.broadcast %sub3A_25 : vector<128x1xf32> to vector<128x128xf32>
      %max3A_161 = arith.maximumf %max3A_159, %max3A_160 : vector<128x128xf32>
      %min3A = vector.broadcast %add3A_142 : vector<1x128xf32> to vector<128x128xf32>
      %min3A_162 = vector.broadcast %add3A : vector<128x1xf32> to vector<128x128xf32>
      %min3A_163 = arith.minimumf %min3A, %min3A_162 : vector<128x128xf32>
      %min3A_164 = vector.broadcast %add3A_146 : vector<1x128xf32> to vector<128x128xf32>
      %min3A_165 = vector.broadcast %add3A_32 : vector<128x1xf32> to vector<128x128xf32>
      %min3A_166 = arith.minimumf %min3A_164, %min3A_165 : vector<128x128xf32>
      %sub3A_167 = arith.subf %min3A_163, %max3A_158 : vector<128x128xf32>
      %max3A_168 = arith.constant 0.000000e+00 : f32
      %max3A_169 = vector.broadcast %max3A_168 : f32 to vector<128x128xf32>
      %max3A_170 = arith.maximumf %sub3A_167, %max3A_169 : vector<128x128xf32>
      %sub3A_171 = arith.subf %min3A_166, %max3A_161 : vector<128x128xf32>
      %max3A_172 = arith.constant 0.000000e+00 : f32
      %max3A_173 = vector.broadcast %max3A_172 : f32 to vector<128x128xf32>
      %max3A_174 = arith.maximumf %sub3A_171, %max3A_173 : vector<128x128xf32>
      %mul3A_175 = arith.mulf %max3A_170, %max3A_174 : vector<128x128xf32>
      %add3A_176 = vector.broadcast %mul3A_155 : vector<1x128xf32> to vector<128x128xf32>
      %add3A_177 = vector.broadcast %mul3A_40 : vector<128x1xf32> to vector<128x128xf32>
      %add3A_178 = arith.addf %add3A_176, %add3A_177 : vector<128x128xf32>
      %sub3A_179 = arith.subf %add3A_178, %mul3A_175 : vector<128x128xf32>
      %max3A_180 = arith.constant 9.99999993E-9 : f32
      %max3A_181 = vector.broadcast %max3A_180 : f32 to vector<128x128xf32>
      %max3A_182 = arith.maximumf %sub3A_179, %max3A_181 : vector<128x128xf32>
      %div3A = arith.divf %mul3A_175, %max3A_182 : vector<128x128xf32>
      %reduce_max3A = arith.constant dense<0xFF800000> : vector<128xf32>
      %reduce_max3A_183 = vector.multi_reduction <maximumf>, %div3A, %reduce_max3A [0] : vector<128x128xf32> to vector<128xf32>
      %broadcast_in_dim3A_184 = vector.shape_cast %reduce_max3A_183 : vector<128xf32> to vector<1x128xf32>
      %eq3A = vector.broadcast %broadcast_in_dim3A_184 : vector<1x128xf32> to vector<128x128xf32>
      %eq3A_185 = arith.cmpf oeq, %div3A, %eq3A : vector<128x128xf32>
      %jit3A = arith.constant 128 : i32
      %broadcast_in_dim3A_186 = vector.shape_cast %iota3A_0 : vector<128x1xi32> to vector<128x1xi32>
      %broadcast_in_dim3A_187 = vector.broadcast %broadcast_in_dim3A_186 : vector<128x1xi32> to vector<128x128xi32>
      %broadcast_in_dim3A_188 = vector.broadcast %jit3A : i32 to vector<128x128xi32>
      %select_n3A = arith.select %eq3A_185, %broadcast_in_dim3A_187, %broadcast_in_dim3A_188 : vector<128x128xi1>, vector<128x128xi32>
      %reduce_min3A = arith.constant dense<2147483647> : vector<128xi32>
      %reduce_min3A_189 = vector.multi_reduction <minsi>, %select_n3A, %reduce_min3A [0] : vector<128x128xi32> to vector<128xi32>
      %broadcast_in_dim3A_190 = vector.shape_cast %reduce_min3A_189 : vector<128xi32> to vector<1x128xi32>
      %swap3A_191 = arith.index_cast %scan3A_108 : i32 to index
      %swap3A_192 = arith.constant 0 : index
      %swap3A_193 = vector.load %arg7[%swap3A_191, %swap3A_192] : memref<160x128xf32, #tpu.memory_space<vmem>>, vector<1x128xf32>
      tpu.vector_store %arg7[%swap3A_191, %swap3A_192], %broadcast_in_dim3A_184 {strides = array<i32>} : memref<160x128xf32, #tpu.memory_space<vmem>>, vector<1x128xf32>,
      %swap3A_194 = arith.index_cast %scan3A_108 : i32 to index
      %swap3A_195 = arith.constant 0 : index
      %swap3A_196 = vector.load %arg8[%swap3A_194, %swap3A_195] : memref<160x128xi32, #tpu.memory_space<vmem>>, vector<1x128xi32>
      tpu.vector_store %arg8[%swap3A_194, %swap3A_195], %broadcast_in_dim3A_190 {strides = array<i32>} : memref<160x128xi32, #tpu.memory_space<vmem>>, vector<1x128xi32>,
      %reduce_max3A_197 = arith.constant dense<0xFF800000> : vector<128xf32>
      %reduce_max3A_198 = vector.multi_reduction <maximumf>, %div3A, %reduce_max3A_197 [1] : vector<128x128xf32> to vector<128xf32>
      %broadcast_in_dim3A_199 = vector.shape_cast %reduce_max3A_198 : vector<128xf32> to vector<128x1xf32>
      %mul3A_200 = arith.constant 128 : i32
      %mul3A_201 = arith.muli %scan3A_108, %mul3A_200 : i32
      %add3A_202 = vector.broadcast %mul3A_201 : i32 to vector<1x128xi32>
      %add3A_203 = arith.addi %add3A_202, %iota3A : vector<1x128xi32>
      %eq3A_204 = vector.broadcast %broadcast_in_dim3A_199 : vector<128x1xf32> to vector<128x128xf32>
      %eq3A_205 = arith.cmpf oeq, %div3A, %eq3A_204 : vector<128x128xf32>
      %jit3A_206 = arith.constant 1073741824 : i32
      %broadcast_in_dim3A_207 = vector.shape_cast %add3A_203 : vector<1x128xi32> to vector<1x128xi32>
      %broadcast_in_dim3A_208 = vector.broadcast %broadcast_in_dim3A_207 : vector<1x128xi32> to vector<128x128xi32>
      %broadcast_in_dim3A_209 = vector.broadcast %jit3A_206 : i32 to vector<128x128xi32>
      %select_n3A_210 = arith.select %eq3A_205, %broadcast_in_dim3A_208, %broadcast_in_dim3A_209 : vector<128x128xi1>, vector<128x128xi32>
      %reduce_min3A_211 = arith.constant dense<2147483647> : vector<128xi32>
      %reduce_min3A_212 = vector.multi_reduction <minsi>, %select_n3A_210, %reduce_min3A_211 [1] : vector<128x128xi32> to vector<128xi32>
      %broadcast_in_dim3A_213 = vector.shape_cast %reduce_min3A_212 : vector<128xi32> to vector<128x1xi32>
      %gt3A = arith.cmpf ogt, %broadcast_in_dim3A_199, %scan3A_109 : vector<128x1xf32>
      %select_n3A_214 = arith.select %gt3A, %broadcast_in_dim3A_199, %scan3A_109 : vector<128x1xi1>, vector<128x1xf32>
      %select_n3A_215 = arith.select %gt3A, %broadcast_in_dim3A_213, %scan3A_110 : vector<128x1xi1>, vector<128x1xi32>
      scf.yield %select_n3A_214, %select_n3A_215 : vector<128x1xf32>, vector<128x1xi32>
    }
    %scan3A_48 = arith.constant 160 : i32
    %scan3A_49 = arith.constant 0 : i32
    %scan3A_50 = arith.constant 160 : i32
    %scan3A_51 = arith.addi %scan3A_49, %scan3A_50 : i32
    %scan3A_52 = arith.constant 1 : i32
    scf.for %scan3A_108 = %scan3A_49 to %scan3A_51 step %scan3A_52  : i32 {
      %mul3A_109 = arith.constant 128 : i32
      %mul3A_110 = arith.muli %scan3A_108, %mul3A_109 : i32
      %add3A_111 = vector.broadcast %mul3A_110 : i32 to vector<1x128xi32>
      %add3A_112 = arith.addi %add3A_111, %iota3A : vector<1x128xi32>
      %get3A_113 = arith.index_cast %scan3A_108 : i32 to index
      %get3A_114 = arith.constant 0 : index
      %get3A_115 = vector.load %arg7[%get3A_113, %get3A_114] : memref<160x128xf32, #tpu.memory_space<vmem>>, vector<1x128xf32>
      %eq3A = vector.broadcast %scan3A_47#1 : vector<128x1xi32> to vector<128x128xi32>
      %eq3A_116 = vector.broadcast %add3A_112 : vector<1x128xi32> to vector<128x128xi32>
      %eq3A_117 = arith.cmpi eq, %eq3A, %eq3A_116 : vector<128x128xi32>
      %reduce_or3A = arith.constant 1.000000e+00 : f32
      %reduce_or3A_118 = arith.constant 0.000000e+00 : f32
      %reduce_or3A_119 = vector.broadcast %reduce_or3A : f32 to vector<128x128xf32>
      %reduce_or3A_120 = vector.broadcast %reduce_or3A_118 : f32 to vector<128x128xf32>
      %reduce_or3A_121 = arith.select %eq3A_117, %reduce_or3A_119, %reduce_or3A_120 : vector<128x128xi1>, vector<128x128xf32>
      %reduce_or3A_122 = arith.constant dense<0xFF800000> : vector<128xf32>
      %reduce_or3A_123 = vector.multi_reduction <maximumf>, %reduce_or3A_121, %reduce_or3A_122 [0] : vector<128x128xf32> to vector<128xf32>
      %reduce_or3A_124 = arith.constant 0.000000e+00 : f32
      %reduce_or3A_125 = vector.broadcast %reduce_or3A_124 : f32 to vector<128xf32>
      %reduce_or3A_126 = arith.cmpf ogt, %reduce_or3A_123, %reduce_or3A_125 : vector<128xf32>
      %broadcast_in_dim3A_127 = vector.shape_cast %reduce_or3A_126 : vector<128xi1> to vector<1x128xi1>
      %ge3A = arith.constant 7.500000e-01 : f32
      %ge3A_128 = vector.broadcast %ge3A : f32 to vector<1x128xf32>
      %ge3A_129 = arith.cmpf oge, %get3A_115, %ge3A_128 : vector<1x128xf32>
      %or3A = arith.ori %ge3A_129, %broadcast_in_dim3A_127 : vector<1x128xi1>
      %lt3A = arith.constant 4.000000e-01 : f32
      %lt3A_130 = vector.broadcast %lt3A : f32 to vector<1x128xf32>
      %lt3A_131 = arith.cmpf olt, %get3A_115, %lt3A_130 : vector<1x128xf32>
      %not3A = arith.constant dense<true> : vector<1x128xi1>
      %not3A_132 = arith.xori %or3A, %not3A : vector<1x128xi1>
      %and3A = arith.andi %lt3A_131, %not3A_132 : vector<1x128xi1>
      %lt3A_133 = arith.constant 20000 : i32
      %lt3A_134 = vector.broadcast %lt3A_133 : i32 to vector<1x128xi32>
      %lt3A_135 = arith.cmpi slt, %add3A_112, %lt3A_134 : vector<1x128xi32>
      %jit3A = arith.constant -1.000000e+00 : f32
      %broadcast_in_dim3A_136 = vector.broadcast %jit3A : f32 to vector<1x128xf32>
      %select_n3A = arith.select %or3A, %get3A_115, %broadcast_in_dim3A_136 : vector<1x128xi1>, vector<1x128xf32>
      %jit3A_137 = arith.constant -2.000000e+00 : f32
      %broadcast_in_dim3A_138 = vector.broadcast %jit3A_137 : f32 to vector<1x128xf32>
      %select_n3A_139 = arith.select %lt3A_135, %select_n3A, %broadcast_in_dim3A_138 : vector<1x128xi1>, vector<1x128xf32>
      %sub3A_140 = arith.constant 1.000000e+00 : f32
      %sub3A_141 = vector.broadcast %sub3A_140 : f32 to vector<1x128xf32>
      %sub3A_142 = arith.subf %sub3A_141, %get3A_115 : vector<1x128xf32>
      %jit3A_143 = arith.constant -1.000000e+00 : f32
      %broadcast_in_dim3A_144 = vector.broadcast %jit3A_143 : f32 to vector<1x128xf32>
      %select_n3A_145 = arith.select %and3A, %sub3A_142, %broadcast_in_dim3A_144 : vector<1x128xi1>, vector<1x128xf32>
      %jit3A_146 = arith.constant -2.000000e+00 : f32
      %broadcast_in_dim3A_147 = vector.broadcast %jit3A_146 : f32 to vector<1x128xf32>
      %select_n3A_148 = arith.select %lt3A_135, %select_n3A_145, %broadcast_in_dim3A_147 : vector<1x128xi1>, vector<1x128xf32>
      %swap3A_149 = arith.index_cast %scan3A_108 : i32 to index
      %swap3A_150 = arith.constant 0 : index
      %swap3A_151 = vector.load %arg9[%swap3A_149, %swap3A_150] : memref<160x128xf32, #tpu.memory_space<vmem>>, vector<1x128xf32>
      tpu.vector_store %arg9[%swap3A_149, %swap3A_150], %select_n3A_139 {strides = array<i32>} : memref<160x128xf32, #tpu.memory_space<vmem>>, vector<1x128xf32>,
      %swap3A_152 = arith.index_cast %scan3A_108 : i32 to index
      %swap3A_153 = arith.constant 0 : index
      %swap3A_154 = vector.load %arg10[%swap3A_152, %swap3A_153] : memref<160x128xf32, #tpu.memory_space<vmem>>, vector<1x128xf32>
      tpu.vector_store %arg10[%swap3A_152, %swap3A_153], %select_n3A_148 {strides = array<i32>} : memref<160x128xf32, #tpu.memory_space<vmem>>, vector<1x128xf32>,
    }
    %scan3A_53 = arith.constant 160 : i32
    %iota3A_54 = tpu.iota {dimensions = array<i32: 0>} : vector<160x128xi32>
    %mul3A_55 = arith.constant 128 : i32
    %mul3A_56 = vector.broadcast %mul3A_55 : i32 to vector<160x128xi32>
    %mul3A_57 = arith.muli %iota3A_54, %mul3A_56 : vector<160x128xi32>
    %iota3A_58 = tpu.iota {dimensions = array<i32: 1>} : vector<160x128xi32>
    %add3A_59 = arith.addi %mul3A_57, %iota3A_58 : vector<160x128xi32>
    %broadcast_in_dim3A_60 = arith.constant 0 : i32
    %broadcast_in_dim3A_61 = vector.broadcast %broadcast_in_dim3A_60 : i32 to vector<1x128xi32>
    %broadcast_in_dim3A_62 = arith.constant 0.000000e+00 : f32
    %broadcast_in_dim3A_63 = vector.broadcast %broadcast_in_dim3A_62 : f32 to vector<1x128xf32>
    %broadcast_in_dim3A_64 = arith.constant 0.000000e+00 : f32
    %broadcast_in_dim3A_65 = vector.broadcast %broadcast_in_dim3A_64 : f32 to vector<1x128xf32>
    %broadcast_in_dim3A_66 = arith.constant 0.000000e+00 : f32
    %broadcast_in_dim3A_67 = vector.broadcast %broadcast_in_dim3A_66 : f32 to vector<1x128xf32>
    %broadcast_in_dim3A_68 = arith.constant 0.000000e+00 : f32
    %broadcast_in_dim3A_69 = vector.broadcast %broadcast_in_dim3A_68 : f32 to vector<1x128xf32>
    %scan3A_70 = arith.constant 0 : i32
    %scan3A_71 = arith.constant 128 : i32
    %scan3A_72 = arith.addi %scan3A_70, %scan3A_71 : i32
    %scan3A_73 = arith.constant 1 : i32
    %scan3A_74:11 = scf.for %scan3A_108 = %scan3A_70 to %scan3A_72 step %scan3A_73 iter_args(%scan3A_109 = %broadcast_in_dim3A_61, %scan3A_110 = %broadcast_in_dim3A_61, %scan3A_111 = %broadcast_in_dim3A_61, %scan3A_112 = %broadcast_in_dim3A_63, %scan3A_113 = %broadcast_in_dim3A_65, %scan3A_114 = %broadcast_in_dim3A_67, %scan3A_115 = %broadcast_in_dim3A_69, %scan3A_116 = %broadcast_in_dim3A_63, %scan3A_117 = %broadcast_in_dim3A_65, %scan3A_118 = %broadcast_in_dim3A_67, %scan3A_119 = %broadcast_in_dim3A_69) -> (vector<1x128xi32>, vector<1x128xi32>, vector<1x128xi32>, vector<1x128xf32>, vector<1x128xf32>, vector<1x128xf32>, vector<1x128xf32>, vector<1x128xf32>, vector<1x128xf32>, vector<1x128xf32>, vector<1x128xf32>)  : i32 {
      %eq3A = vector.broadcast %scan3A_108 : i32 to vector<1x128xi32>
      %eq3A_120 = arith.cmpi eq, %iota3A, %eq3A : vector<1x128xi32>
      %get3A_121 = arith.constant 0 : index
      %get3A_122 = arith.constant 0 : index
      %get3A_123 = vector.load %arg9[%get3A_121, %get3A_122] : memref<160x128xf32, #tpu.memory_space<vmem>>, vector<160x128xf32>
      %reduce_max3A = vector.shape_cast %get3A_123 : vector<160x128xf32> to vector<1x160x128xf32>
      %reduce_max3A_124 = arith.constant dense<0xFF800000> : vector<1xf32>
      %reduce_max3A_125 = vector.multi_reduction <maximumf>, %reduce_max3A, %reduce_max3A_124 [1, 2] : vector<1x160x128xf32> to vector<1xf32>
      %reduce_max3A_126 = vector.shape_cast %reduce_max3A_125 : vector<1xf32> to vector<1x1x1xf32>
      %reduce_max3A_127 = vector.extract %reduce_max3A_126[0, 0, 0] : f32 from vector<1x1x1xf32>
      %eq3A_128 = vector.broadcast %reduce_max3A_127 : f32 to vector<160x128xf32>
      %eq3A_129 = arith.cmpf oeq, %get3A_123, %eq3A_128 : vector<160x128xf32>
      %jit3A = arith.constant 1073741824 : i32
      %broadcast_in_dim3A_130 = vector.broadcast %jit3A : i32 to vector<160x128xi32>
      %select_n3A = arith.select %eq3A_129, %add3A_59, %broadcast_in_dim3A_130 : vector<160x128xi1>, vector<160x128xi32>
      %reduce_min3A = vector.shape_cast %select_n3A : vector<160x128xi32> to vector<1x160x128xi32>
      %reduce_min3A_131 = arith.constant dense<2147483647> : vector<1xi32>
      %reduce_min3A_132 = vector.multi_reduction <minsi>, %reduce_min3A, %reduce_min3A_131 [1, 2] : vector<1x160x128xi32> to vector<1xi32>
      %reduce_min3A_133 = vector.shape_cast %reduce_min3A_132 : vector<1xi32> to vector<1x1x1xi32>
      %reduce_min3A_134 = vector.extract %reduce_min3A_133[0, 0, 0] : i32 from vector<1x1x1xi32>
      %jit3A_135 = arith.constant 128 : i32
      %div3A = arith.divsi %reduce_min3A_134, %jit3A_135 : i32
      %sign3A = arith.constant 0 : i32
      %sign3A_136 = arith.cmpi sgt, %reduce_min3A_134, %sign3A : i32
      %sign3A_137 = arith.extui %sign3A_136 : i1 to i32
      %sign3A_138 = arith.constant 0 : i32
      %sign3A_139 = arith.cmpi slt, %reduce_min3A_134, %sign3A_138 : i32
      %sign3A_140 = arith.extui %sign3A_139 : i1 to i32
      %sign3A_141 = arith.subi %sign3A_137, %sign3A_140 : i32
      %sign3A_142 = arith.constant 0 : i32
      %sign3A_143 = arith.cmpi sgt, %jit3A_135, %sign3A_142 : i32
      %sign3A_144 = arith.extui %sign3A_143 : i1 to i32
      %sign3A_145 = arith.constant 0 : i32
      %sign3A_146 = arith.cmpi slt, %jit3A_135, %sign3A_145 : i32
      %sign3A_147 = arith.extui %sign3A_146 : i1 to i32
      %sign3A_148 = arith.subi %sign3A_144, %sign3A_147 : i32
      %ne3A = arith.cmpi ne, %sign3A_141, %sign3A_148 : i32
      %rem3A = arith.remsi %reduce_min3A_134, %jit3A_135 : i32
      %ne3A_149 = arith.constant 0 : i32
      %ne3A_150 = arith.cmpi ne, %rem3A, %ne3A_149 : i32
      %and3A = arith.andi %ne3A, %ne3A_150 : i1
      %sub3A_151 = arith.constant 1 : i32
      %sub3A_152 = arith.subi %div3A, %sub3A_151 : i32
      %select_n3A_153 = arith.select %and3A, %sub3A_152, %div3A : i32
      %mul3A_154 = arith.constant 128 : i32
      %mul3A_155 = arith.muli %select_n3A_153, %mul3A_154 : i32
      %sub3A_156 = arith.subi %reduce_min3A_134, %mul3A_155 : i32
      %eq3A_157 = vector.broadcast %sub3A_156 : i32 to vector<1x128xi32>
      %eq3A_158 = arith.cmpi eq, %iota3A, %eq3A_157 : vector<1x128xi32>
      %get3A_159 = arith.index_cast %select_n3A_153 : i32 to index
      %get3A_160 = arith.constant 0 : index
      %get3A_161 = vector.load %arg8[%get3A_159, %get3A_160] : memref<160x128xi32, #tpu.memory_space<vmem>>, vector<1x128xi32>
      %jit3A_162 = arith.constant -1 : i32
      %broadcast_in_dim3A_163 = vector.broadcast %jit3A_162 : i32 to vector<1x128xi32>
      %select_n3A_164 = arith.select %eq3A_158, %get3A_161, %broadcast_in_dim3A_163 : vector<1x128xi1>, vector<1x128xi32>
      %reduce_max3A_165 = vector.shape_cast %select_n3A_164 : vector<1x128xi32> to vector<1x1x128xi32>
      %reduce_max3A_166 = arith.constant dense<-2147483648> : vector<1xi32>
      %reduce_max3A_167 = vector.multi_reduction <maxsi>, %reduce_max3A_165, %reduce_max3A_166 [1, 2] : vector<1x1x128xi32> to vector<1xi32>
      %reduce_max3A_168 = vector.shape_cast %reduce_max3A_167 : vector<1xi32> to vector<1x1x1xi32>
      %reduce_max3A_169 = vector.extract %reduce_max3A_168[0, 0, 0] : i32 from vector<1x1x1xi32>
      %get3A_170 = arith.index_cast %select_n3A_153 : i32 to index
      %get3A_171 = arith.constant 0 : index
      %get3A_172 = vector.load %arg9[%get3A_170, %get3A_171] : memref<160x128xf32, #tpu.memory_space<vmem>>, vector<1x128xf32>
      %jit3A_173 = arith.constant -3.000000e+00 : f32
      %broadcast_in_dim3A_174 = vector.broadcast %jit3A_173 : f32 to vector<1x128xf32>
      %select_n3A_175 = arith.select %eq3A_158, %broadcast_in_dim3A_174, %get3A_172 : vector<1x128xi1>, vector<1x128xf32>
      %swap3A_176 = arith.index_cast %select_n3A_153 : i32 to index
      %swap3A_177 = arith.constant 0 : index
      %swap3A_178 = vector.load %arg9[%swap3A_176, %swap3A_177] : memref<160x128xf32, #tpu.memory_space<vmem>>, vector<1x128xf32>
      tpu.vector_store %arg9[%swap3A_176, %swap3A_177], %select_n3A_175 {strides = array<i32>} : memref<160x128xf32, #tpu.memory_space<vmem>>, vector<1x128xf32>,
      %get3A_179 = arith.constant 0 : index
      %get3A_180 = arith.index_cast %select_n3A_153 : i32 to index
      %get3A_181 = arith.constant 0 : index
      %get3A_182 = vector.load %arg0[%get3A_179, %get3A_180, %get3A_181] : memref<4x160x128xf32, #tpu.memory_space<vmem>>, vector<1x1x128xf32>
      %get3A_183 = vector.shape_cast %get3A_182 : vector<1x1x128xf32> to vector<1x128xf32>
      %jit3A_184 = arith.constant -1.000000e+30 : f32
      %broadcast_in_dim3A_185 = vector.broadcast %jit3A_184 : f32 to vector<1x128xf32>
      %select_n3A_186 = arith.select %eq3A_158, %get3A_183, %broadcast_in_dim3A_185 : vector<1x128xi1>, vector<1x128xf32>
      %reduce_max3A_187 = vector.shape_cast %select_n3A_186 : vector<1x128xf32> to vector<1x1x128xf32>
      %reduce_max3A_188 = arith.constant dense<0xFF800000> : vector<1xf32>
      %reduce_max3A_189 = vector.multi_reduction <maximumf>, %reduce_max3A_187, %reduce_max3A_188 [1, 2] : vector<1x1x128xf32> to vector<1xf32>
      %reduce_max3A_190 = vector.shape_cast %reduce_max3A_189 : vector<1xf32> to vector<1x1x1xf32>
      %reduce_max3A_191 = vector.extract %reduce_max3A_190[0, 0, 0] : f32 from vector<1x1x1xf32>
      %broadcast_in_dim3A_192 = vector.broadcast %reduce_max3A_191 : f32 to vector<1x128xf32>
      %select_n3A_193 = arith.select %eq3A_120, %broadcast_in_dim3A_192, %scan3A_112 : vector<1x128xi1>, vector<1x128xf32>
      %get3A_194 = arith.constant 1 : index
      %get3A_195 = arith.index_cast %select_n3A_153 : i32 to index
      %get3A_196 = arith.constant 0 : index
      %get3A_197 = vector.load %arg0[%get3A_194, %get3A_195, %get3A_196] : memref<4x160x128xf32, #tpu.memory_space<vmem>>, vector<1x1x128xf32>
      %get3A_198 = vector.shape_cast %get3A_197 : vector<1x1x128xf32> to vector<1x128xf32>
      %jit3A_199 = arith.constant -1.000000e+30 : f32
      %broadcast_in_dim3A_200 = vector.broadcast %jit3A_199 : f32 to vector<1x128xf32>
      %select_n3A_201 = arith.select %eq3A_158, %get3A_198, %broadcast_in_dim3A_200 : vector<1x128xi1>, vector<1x128xf32>
      %reduce_max3A_202 = vector.shape_cast %select_n3A_201 : vector<1x128xf32> to vector<1x1x128xf32>
      %reduce_max3A_203 = arith.constant dense<0xFF800000> : vector<1xf32>
      %reduce_max3A_204 = vector.multi_reduction <maximumf>, %reduce_max3A_202, %reduce_max3A_203 [1, 2] : vector<1x1x128xf32> to vector<1xf32>
      %reduce_max3A_205 = vector.shape_cast %reduce_max3A_204 : vector<1xf32> to vector<1x1x1xf32>
      %reduce_max3A_206 = vector.extract %reduce_max3A_205[0, 0, 0] : f32 from vector<1x1x1xf32>
      %broadcast_in_dim3A_207 = vector.broadcast %reduce_max3A_206 : f32 to vector<1x128xf32>
      %select_n3A_208 = arith.select %eq3A_120, %broadcast_in_dim3A_207, %scan3A_113 : vector<1x128xi1>, vector<1x128xf32>
      %get3A_209 = arith.constant 2 : index
      %get3A_210 = arith.index_cast %select_n3A_153 : i32 to index
      %get3A_211 = arith.constant 0 : index
      %get3A_212 = vector.load %arg0[%get3A_209, %get3A_210, %get3A_211] : memref<4x160x128xf32, #tpu.memory_space<vmem>>, vector<1x1x128xf32>
      %get3A_213 = vector.shape_cast %get3A_212 : vector<1x1x128xf32> to vector<1x128xf32>
      %jit3A_214 = arith.constant -1.000000e+30 : f32
      %broadcast_in_dim3A_215 = vector.broadcast %jit3A_214 : f32 to vector<1x128xf32>
      %select_n3A_216 = arith.select %eq3A_158, %get3A_213, %broadcast_in_dim3A_215 : vector<1x128xi1>, vector<1x128xf32>
      %reduce_max3A_217 = vector.shape_cast %select_n3A_216 : vector<1x128xf32> to vector<1x1x128xf32>
      %reduce_max3A_218 = arith.constant dense<0xFF800000> : vector<1xf32>
      %reduce_max3A_219 = vector.multi_reduction <maximumf>, %reduce_max3A_217, %reduce_max3A_218 [1, 2] : vector<1x1x128xf32> to vector<1xf32>
      %reduce_max3A_220 = vector.shape_cast %reduce_max3A_219 : vector<1xf32> to vector<1x1x1xf32>
      %reduce_max3A_221 = vector.extract %reduce_max3A_220[0, 0, 0] : f32 from vector<1x1x1xf32>
      %broadcast_in_dim3A_222 = vector.broadcast %reduce_max3A_221 : f32 to vector<1x128xf32>
      %select_n3A_223 = arith.select %eq3A_120, %broadcast_in_dim3A_222, %scan3A_114 : vector<1x128xi1>, vector<1x128xf32>
      %get3A_224 = arith.constant 3 : index
      %get3A_225 = arith.index_cast %select_n3A_153 : i32 to index
      %get3A_226 = arith.constant 0 : index
      %get3A_227 = vector.load %arg0[%get3A_224, %get3A_225, %get3A_226] : memref<4x160x128xf32, #tpu.memory_space<vmem>>, vector<1x1x128xf32>
      %get3A_228 = vector.shape_cast %get3A_227 : vector<1x1x128xf32> to vector<1x128xf32>
      %jit3A_229 = arith.constant -1.000000e+30 : f32
      %broadcast_in_dim3A_230 = vector.broadcast %jit3A_229 : f32 to vector<1x128xf32>
      %select_n3A_231 = arith.select %eq3A_158, %get3A_228, %broadcast_in_dim3A_230 : vector<1x128xi1>, vector<1x128xf32>
      %reduce_max3A_232 = vector.shape_cast %select_n3A_231 : vector<1x128xf32> to vector<1x1x128xf32>
      %reduce_max3A_233 = arith.constant dense<0xFF800000> : vector<1xf32>
      %reduce_max3A_234 = vector.multi_reduction <maximumf>, %reduce_max3A_232, %reduce_max3A_233 [1, 2] : vector<1x1x128xf32> to vector<1xf32>
      %reduce_max3A_235 = vector.shape_cast %reduce_max3A_234 : vector<1xf32> to vector<1x1x1xf32>
      %reduce_max3A_236 = vector.extract %reduce_max3A_235[0, 0, 0] : f32 from vector<1x1x1xf32>
      %broadcast_in_dim3A_237 = vector.broadcast %reduce_max3A_236 : f32 to vector<1x128xf32>
      %select_n3A_238 = arith.select %eq3A_120, %broadcast_in_dim3A_237, %scan3A_115 : vector<1x128xi1>, vector<1x128xf32>
      %get3A_239 = arith.constant 0 : index
      %get3A_240 = arith.constant 0 : index
      %get3A_241 = vector.load %arg10[%get3A_239, %get3A_240] : memref<160x128xf32, #tpu.memory_space<vmem>>, vector<160x128xf32>
      %reduce_max3A_242 = vector.shape_cast %get3A_241 : vector<160x128xf32> to vector<1x160x128xf32>
      %reduce_max3A_243 = arith.constant dense<0xFF800000> : vector<1xf32>
      %reduce_max3A_244 = vector.multi_reduction <maximumf>, %reduce_max3A_242, %reduce_max3A_243 [1, 2] : vector<1x160x128xf32> to vector<1xf32>
      %reduce_max3A_245 = vector.shape_cast %reduce_max3A_244 : vector<1xf32> to vector<1x1x1xf32>
      %reduce_max3A_246 = vector.extract %reduce_max3A_245[0, 0, 0] : f32 from vector<1x1x1xf32>
      %eq3A_247 = vector.broadcast %reduce_max3A_246 : f32 to vector<160x128xf32>
      %eq3A_248 = arith.cmpf oeq, %get3A_241, %eq3A_247 : vector<160x128xf32>
      %jit3A_249 = arith.constant 1073741824 : i32
      %broadcast_in_dim3A_250 = vector.broadcast %jit3A_249 : i32 to vector<160x128xi32>
      %select_n3A_251 = arith.select %eq3A_248, %add3A_59, %broadcast_in_dim3A_250 : vector<160x128xi1>, vector<160x128xi32>
      %reduce_min3A_252 = vector.shape_cast %select_n3A_251 : vector<160x128xi32> to vector<1x160x128xi32>
      %reduce_min3A_253 = arith.constant dense<2147483647> : vector<1xi32>
      %reduce_min3A_254 = vector.multi_reduction <minsi>, %reduce_min3A_252, %reduce_min3A_253 [1, 2] : vector<1x160x128xi32> to vector<1xi32>
      %reduce_min3A_255 = vector.shape_cast %reduce_min3A_254 : vector<1xi32> to vector<1x1x1xi32>
      %reduce_min3A_256 = vector.extract %reduce_min3A_255[0, 0, 0] : i32 from vector<1x1x1xi32>
      %jit3A_257 = arith.constant 128 : i32
      %div3A_258 = arith.divsi %reduce_min3A_256, %jit3A_257 : i32
      %sign3A_259 = arith.constant 0 : i32
      %sign3A_260 = arith.cmpi sgt, %reduce_min3A_256, %sign3A_259 : i32
      %sign3A_261 = arith.extui %sign3A_260 : i1 to i32
      %sign3A_262 = arith.constant 0 : i32
      %sign3A_263 = arith.cmpi slt, %reduce_min3A_256, %sign3A_262 : i32
      %sign3A_264 = arith.extui %sign3A_263 : i1 to i32
      %sign3A_265 = arith.subi %sign3A_261, %sign3A_264 : i32
      %sign3A_266 = arith.constant 0 : i32
      %sign3A_267 = arith.cmpi sgt, %jit3A_257, %sign3A_266 : i32
      %sign3A_268 = arith.extui %sign3A_267 : i1 to i32
      %sign3A_269 = arith.constant 0 : i32
      %sign3A_270 = arith.cmpi slt, %jit3A_257, %sign3A_269 : i32
      %sign3A_271 = arith.extui %sign3A_270 : i1 to i32
      %sign3A_272 = arith.subi %sign3A_268, %sign3A_271 : i32
      %ne3A_273 = arith.cmpi ne, %sign3A_265, %sign3A_272 : i32
      %rem3A_274 = arith.remsi %reduce_min3A_256, %jit3A_257 : i32
      %ne3A_275 = arith.constant 0 : i32
      %ne3A_276 = arith.cmpi ne, %rem3A_274, %ne3A_275 : i32
      %and3A_277 = arith.andi %ne3A_273, %ne3A_276 : i1
      %sub3A_278 = arith.constant 1 : i32
      %sub3A_279 = arith.subi %div3A_258, %sub3A_278 : i32
      %select_n3A_280 = arith.select %and3A_277, %sub3A_279, %div3A_258 : i32
      %mul3A_281 = arith.constant 128 : i32
      %mul3A_282 = arith.muli %select_n3A_280, %mul3A_281 : i32
      %sub3A_283 = arith.subi %reduce_min3A_256, %mul3A_282 : i32
      %eq3A_284 = vector.broadcast %sub3A_283 : i32 to vector<1x128xi32>
      %eq3A_285 = arith.cmpi eq, %iota3A, %eq3A_284 : vector<1x128xi32>
      %get3A_286 = arith.index_cast %select_n3A_280 : i32 to index
      %get3A_287 = arith.constant 0 : index
      %get3A_288 = vector.load %arg10[%get3A_286, %get3A_287] : memref<160x128xf32, #tpu.memory_space<vmem>>, vector<1x128xf32>
      %jit3A_289 = arith.constant -3.000000e+00 : f32
      %broadcast_in_dim3A_290 = vector.broadcast %jit3A_289 : f32 to vector<1x128xf32>
      %select_n3A_291 = arith.select %eq3A_285, %broadcast_in_dim3A_290, %get3A_288 : vector<1x128xi1>, vector<1x128xf32>
      %swap3A_292 = arith.index_cast %select_n3A_280 : i32 to index
      %swap3A_293 = arith.constant 0 : index
      %swap3A_294 = vector.load %arg10[%swap3A_292, %swap3A_293] : memref<160x128xf32, #tpu.memory_space<vmem>>, vector<1x128xf32>
      tpu.vector_store %arg10[%swap3A_292, %swap3A_293], %select_n3A_291 {strides = array<i32>} : memref<160x128xf32, #tpu.memory_space<vmem>>, vector<1x128xf32>,
      %get3A_295 = arith.constant 0 : index
      %get3A_296 = arith.index_cast %select_n3A_280 : i32 to index
      %get3A_297 = arith.constant 0 : index
      %get3A_298 = vector.load %arg0[%get3A_295, %get3A_296, %get3A_297] : memref<4x160x128xf32, #tpu.memory_space<vmem>>, vector<1x1x128xf32>
      %get3A_299 = vector.shape_cast %get3A_298 : vector<1x1x128xf32> to vector<1x128xf32>
      %jit3A_300 = arith.constant -1.000000e+30 : f32
      %broadcast_in_dim3A_301 = vector.broadcast %jit3A_300 : f32 to vector<1x128xf32>
      %select_n3A_302 = arith.select %eq3A_285, %get3A_299, %broadcast_in_dim3A_301 : vector<1x128xi1>, vector<1x128xf32>
      %reduce_max3A_303 = vector.shape_cast %select_n3A_302 : vector<1x128xf32> to vector<1x1x128xf32>
      %reduce_max3A_304 = arith.constant dense<0xFF800000> : vector<1xf32>
      %reduce_max3A_305 = vector.multi_reduction <maximumf>, %reduce_max3A_303, %reduce_max3A_304 [1, 2] : vector<1x1x128xf32> to vector<1xf32>
      %reduce_max3A_306 = vector.shape_cast %reduce_max3A_305 : vector<1xf32> to vector<1x1x1xf32>
      %reduce_max3A_307 = vector.extract %reduce_max3A_306[0, 0, 0] : f32 from vector<1x1x1xf32>
      %broadcast_in_dim3A_308 = vector.broadcast %reduce_max3A_307 : f32 to vector<1x128xf32>
      %select_n3A_309 = arith.select %eq3A_120, %broadcast_in_dim3A_308, %scan3A_116 : vector<1x128xi1>, vector<1x128xf32>
      %get3A_310 = arith.constant 1 : index
      %get3A_311 = arith.index_cast %select_n3A_280 : i32 to index
      %get3A_312 = arith.constant 0 : index
      %get3A_313 = vector.load %arg0[%get3A_310, %get3A_311, %get3A_312] : memref<4x160x128xf32, #tpu.memory_space<vmem>>, vector<1x1x128xf32>
      %get3A_314 = vector.shape_cast %get3A_313 : vector<1x1x128xf32> to vector<1x128xf32>
      %jit3A_315 = arith.constant -1.000000e+30 : f32
      %broadcast_in_dim3A_316 = vector.broadcast %jit3A_315 : f32 to vector<1x128xf32>
      %select_n3A_317 = arith.select %eq3A_285, %get3A_314, %broadcast_in_dim3A_316 : vector<1x128xi1>, vector<1x128xf32>
      %reduce_max3A_318 = vector.shape_cast %select_n3A_317 : vector<1x128xf32> to vector<1x1x128xf32>
      %reduce_max3A_319 = arith.constant dense<0xFF800000> : vector<1xf32>
      %reduce_max3A_320 = vector.multi_reduction <maximumf>, %reduce_max3A_318, %reduce_max3A_319 [1, 2] : vector<1x1x128xf32> to vector<1xf32>
      %reduce_max3A_321 = vector.shape_cast %reduce_max3A_320 : vector<1xf32> to vector<1x1x1xf32>
      %reduce_max3A_322 = vector.extract %reduce_max3A_321[0, 0, 0] : f32 from vector<1x1x1xf32>
      %broadcast_in_dim3A_323 = vector.broadcast %reduce_max3A_322 : f32 to vector<1x128xf32>
      %select_n3A_324 = arith.select %eq3A_120, %broadcast_in_dim3A_323, %scan3A_117 : vector<1x128xi1>, vector<1x128xf32>
      %get3A_325 = arith.constant 2 : index
      %get3A_326 = arith.index_cast %select_n3A_280 : i32 to index
      %get3A_327 = arith.constant 0 : index
      %get3A_328 = vector.load %arg0[%get3A_325, %get3A_326, %get3A_327] : memref<4x160x128xf32, #tpu.memory_space<vmem>>, vector<1x1x128xf32>
      %get3A_329 = vector.shape_cast %get3A_328 : vector<1x1x128xf32> to vector<1x128xf32>
      %jit3A_330 = arith.constant -1.000000e+30 : f32
      %broadcast_in_dim3A_331 = vector.broadcast %jit3A_330 : f32 to vector<1x128xf32>
      %select_n3A_332 = arith.select %eq3A_285, %get3A_329, %broadcast_in_dim3A_331 : vector<1x128xi1>, vector<1x128xf32>
      %reduce_max3A_333 = vector.shape_cast %select_n3A_332 : vector<1x128xf32> to vector<1x1x128xf32>
      %reduce_max3A_334 = arith.constant dense<0xFF800000> : vector<1xf32>
      %reduce_max3A_335 = vector.multi_reduction <maximumf>, %reduce_max3A_333, %reduce_max3A_334 [1, 2] : vector<1x1x128xf32> to vector<1xf32>
      %reduce_max3A_336 = vector.shape_cast %reduce_max3A_335 : vector<1xf32> to vector<1x1x1xf32>
      %reduce_max3A_337 = vector.extract %reduce_max3A_336[0, 0, 0] : f32 from vector<1x1x1xf32>
      %broadcast_in_dim3A_338 = vector.broadcast %reduce_max3A_337 : f32 to vector<1x128xf32>
      %select_n3A_339 = arith.select %eq3A_120, %broadcast_in_dim3A_338, %scan3A_118 : vector<1x128xi1>, vector<1x128xf32>
      %get3A_340 = arith.constant 3 : index
      %get3A_341 = arith.index_cast %select_n3A_280 : i32 to index
      %get3A_342 = arith.constant 0 : index
      %get3A_343 = vector.load %arg0[%get3A_340, %get3A_341, %get3A_342] : memref<4x160x128xf32, #tpu.memory_space<vmem>>, vector<1x1x128xf32>
      %get3A_344 = vector.shape_cast %get3A_343 : vector<1x1x128xf32> to vector<1x128xf32>
      %jit3A_345 = arith.constant -1.000000e+30 : f32
      %broadcast_in_dim3A_346 = vector.broadcast %jit3A_345 : f32 to vector<1x128xf32>
      %select_n3A_347 = arith.select %eq3A_285, %get3A_344, %broadcast_in_dim3A_346 : vector<1x128xi1>, vector<1x128xf32>
      %reduce_max3A_348 = vector.shape_cast %select_n3A_347 : vector<1x128xf32> to vector<1x1x128xf32>
      %reduce_max3A_349 = arith.constant dense<0xFF800000> : vector<1xf32>
      %reduce_max3A_350 = vector.multi_reduction <maximumf>, %reduce_max3A_348, %reduce_max3A_349 [1, 2] : vector<1x1x128xf32> to vector<1xf32>
      %reduce_max3A_351 = vector.shape_cast %reduce_max3A_350 : vector<1xf32> to vector<1x1x1xf32>
      %reduce_max3A_352 = vector.extract %reduce_max3A_351[0, 0, 0] : f32 from vector<1x1x1xf32>
      %broadcast_in_dim3A_353 = vector.broadcast %reduce_max3A_352 : f32 to vector<1x128xf32>
      %select_n3A_354 = arith.select %eq3A_120, %broadcast_in_dim3A_353, %scan3A_119 : vector<1x128xi1>, vector<1x128xf32>
      %broadcast_in_dim3A_355 = vector.broadcast %reduce_min3A_134 : i32 to vector<1x128xi32>
      %select_n3A_356 = arith.select %eq3A_120, %broadcast_in_dim3A_355, %scan3A_109 : vector<1x128xi1>, vector<1x128xi32>
      %broadcast_in_dim3A_357 = vector.broadcast %reduce_min3A_256 : i32 to vector<1x128xi32>
      %select_n3A_358 = arith.select %eq3A_120, %broadcast_in_dim3A_357, %scan3A_110 : vector<1x128xi1>, vector<1x128xi32>
      %broadcast_in_dim3A_359 = vector.broadcast %reduce_max3A_169 : i32 to vector<1x128xi32>
      %select_n3A_360 = arith.select %eq3A_120, %broadcast_in_dim3A_359, %scan3A_111 : vector<1x128xi1>, vector<1x128xi32>
      scf.yield %select_n3A_356, %select_n3A_358, %select_n3A_360, %select_n3A_193, %select_n3A_208, %select_n3A_223, %select_n3A_238, %select_n3A_309, %select_n3A_324, %select_n3A_339, %select_n3A_354 : vector<1x128xi32>, vector<1x128xi32>, vector<1x128xi32>, vector<1x128xf32>, vector<1x128xf32>, vector<1x128xf32>, vector<1x128xf32>, vector<1x128xf32>, vector<1x128xf32>, vector<1x128xf32>, vector<1x128xf32>
    }
    %scan3A_75 = arith.constant 128 : i32
    %swap3A = arith.constant 0 : index
    %swap3A_76 = arith.constant 0 : index
    %swap3A_77 = vector.load %arg2[%swap3A, %swap3A_76] : memref<1x128xi32, #tpu.memory_space<vmem>>, vector<1x128xi32>
    tpu.vector_store %arg2[%swap3A, %swap3A_76], %scan3A_74#0 {strides = array<i32>} : memref<1x128xi32, #tpu.memory_space<vmem>>, vector<1x128xi32>,
    %swap3A_78 = arith.constant 0 : index
    %swap3A_79 = arith.constant 0 : index
    %swap3A_80 = vector.load %arg3[%swap3A_78, %swap3A_79] : memref<1x128xi32, #tpu.memory_space<vmem>>, vector<1x128xi32>
    tpu.vector_store %arg3[%swap3A_78, %swap3A_79], %scan3A_74#1 {strides = array<i32>} : memref<1x128xi32, #tpu.memory_space<vmem>>, vector<1x128xi32>,
    %swap3A_81 = arith.constant 0 : index
    %swap3A_82 = arith.constant 0 : index
    %swap3A_83 = vector.load %arg4[%swap3A_81, %swap3A_82] : memref<1x128xi32, #tpu.memory_space<vmem>>, vector<1x128xi32>
    tpu.vector_store %arg4[%swap3A_81, %swap3A_82], %scan3A_74#2 {strides = array<i32>} : memref<1x128xi32, #tpu.memory_space<vmem>>, vector<1x128xi32>,
    %swap3A_84 = arith.constant 0 : index
    %swap3A_85 = arith.constant 0 : index
    %swap3A_86 = vector.load %arg5[%swap3A_84, %swap3A_85] : memref<4x128xf32, #tpu.memory_space<vmem>>, vector<1x128xf32>
    tpu.vector_store %arg5[%swap3A_84, %swap3A_85], %scan3A_74#3 {strides = array<i32>} : memref<4x128xf32, #tpu.memory_space<vmem>>, vector<1x128xf32>,
    %swap3A_87 = arith.constant 0 : index
    %swap3A_88 = arith.constant 0 : index
    %swap3A_89 = vector.load %arg6[%swap3A_87, %swap3A_88] : memref<4x128xf32, #tpu.memory_space<vmem>>, vector<1x128xf32>
    tpu.vector_store %arg6[%swap3A_87, %swap3A_88], %scan3A_74#7 {strides = array<i32>} : memref<4x128xf32, #tpu.memory_space<vmem>>, vector<1x128xf32>,
    %swap3A_90 = arith.constant 1 : index
    %swap3A_91 = arith.constant 0 : index
    %swap3A_92 = vector.load %arg5[%swap3A_90, %swap3A_91] : memref<4x128xf32, #tpu.memory_space<vmem>>, vector<1x128xf32>
    tpu.vector_store %arg5[%swap3A_90, %swap3A_91], %scan3A_74#4 {strides = array<i32>} : memref<4x128xf32, #tpu.memory_space<vmem>>, vector<1x128xf32>,
    %swap3A_93 = arith.constant 1 : index
    %swap3A_94 = arith.constant 0 : index
    %swap3A_95 = vector.load %arg6[%swap3A_93, %swap3A_94] : memref<4x128xf32, #tpu.memory_space<vmem>>, vector<1x128xf32>
    tpu.vector_store %arg6[%swap3A_93, %swap3A_94], %scan3A_74#8 {strides = array<i32>} : memref<4x128xf32, #tpu.memory_space<vmem>>, vector<1x128xf32>,
    %swap3A_96 = arith.constant 2 : index
    %swap3A_97 = arith.constant 0 : index
    %swap3A_98 = vector.load %arg5[%swap3A_96, %swap3A_97] : memref<4x128xf32, #tpu.memory_space<vmem>>, vector<1x128xf32>
    tpu.vector_store %arg5[%swap3A_96, %swap3A_97], %scan3A_74#5 {strides = array<i32>} : memref<4x128xf32, #tpu.memory_space<vmem>>, vector<1x128xf32>,
    %swap3A_99 = arith.constant 2 : index
    %swap3A_100 = arith.constant 0 : index
    %swap3A_101 = vector.load %arg6[%swap3A_99, %swap3A_100] : memref<4x128xf32, #tpu.memory_space<vmem>>, vector<1x128xf32>
    tpu.vector_store %arg6[%swap3A_99, %swap3A_100], %scan3A_74#9 {strides = array<i32>} : memref<4x128xf32, #tpu.memory_space<vmem>>, vector<1x128xf32>,
    %swap3A_102 = arith.constant 3 : index
    %swap3A_103 = arith.constant 0 : index
    %swap3A_104 = vector.load %arg5[%swap3A_102, %swap3A_103] : memref<4x128xf32, #tpu.memory_space<vmem>>, vector<1x128xf32>
    tpu.vector_store %arg5[%swap3A_102, %swap3A_103], %scan3A_74#6 {strides = array<i32>} : memref<4x128xf32, #tpu.memory_space<vmem>>, vector<1x128xf32>,
    %swap3A_105 = arith.constant 3 : index
    %swap3A_106 = arith.constant 0 : index
    %swap3A_107 = vector.load %arg6[%swap3A_105, %swap3A_106] : memref<4x128xf32, #tpu.memory_space<vmem>>, vector<1x128xf32>
    tpu.vector_store %arg6[%swap3A_105, %swap3A_106], %scan3A_74#10 {strides = array<i32>} : memref<4x128xf32, #tpu.memory_space<vmem>>, vector<1x128xf32>,
    return
  }
}

</mosaic_0001>

<sc_bundles>
// kernel: kernel.4.cloned.1.call-start
scs
__scs_entry_jumppad:
0x0: {  	(pc) =	sbr.rel $0x88, $3  }
0x1: {  	(tag) =	ssettag $0x0;
	lr =	simm.s32 $0x1  }
0x2: {  	[smem:$0x3F9D] =	sst lr;
	_ =	strace $0xD0000000  }
0x3: {  	_ = 	snop  }
0x4: {  	_ = 	snop  }
0x5: {  	_ = 	snop  }
0x6: {  	_ = 	snop  }
0x7: {  	_ = 	snop  }
__scs_overlays_trampoline_lowered:
0x8: {  	[smem:$0x3FAC] =	sst s0  }
0x9: {  	[smem:$0x3FAD] =	sst s1  }
0xa: {  	[smem:$0x3FAE] =	sst s2  }
0xb: {  	[smem:$0x3FAF] =	sst s3  }
0xc: {  	[smem:$0x3FB0] =	sst s4  }
0xd: {  	[smem:$0x3FB1] =	sst s5  }
0xe: {  	[smem:$0x3FB2] =	sst s6  }
0xf: {  	[smem:$0x3FB3] =	sst s7  }
0x10: {  	[smem:$0x3FB4] =	sst s8  }
0x11: {  	[smem:$0x3FB5] =	sst s9;
	s0 =	simm.s32 @!p0 $0x0  }
0x12: {  	s1 =	sld [smem:$0x3F9B];
	s0 =	simm.s32 @p0 $0x1  }
0x13: {  	[smem:$0x3FB6] =	sst s0;
	s0 =	simm.s32 @!p1 $0x0  }
0x14: {  	s2 =	sld [smem:$0x3F9A];
	s0 =	simm.s32 @p1 $0x1  }
0x15: {  	[smem:$0x3FB7] =	sst s0;
	s0 =	simm.s32 @!p2 $0x0  }
0x16: {  	s3 =	sld [smem:$0x3FDB];
	s0 =	simm.s32 @p2 $0x1  }
0x17: {  	s4 =	simm.s32 $0x1BF5;
	[smem:$0x3FB9] =	sst s0  }
0x18: {  	s0 =	sld [smem:$0x3F9C];
	_ =	swait.ge [sflag:s4], $0x0  }
0x19: {  	s7 =	sld [smem:$0x3F9D]  }
0x1a: {  	s8 =	sadd.s32 $0xFFFFE003, lr  }
0x1b: {  	s9 =	sadd.s32 $0xFFFFFEF7, lr;
	s5 =	simm.s32 $0xFFFFFFFF;
	p2 =	slt.u32 s8, $0xFFFFF086  }
0x1c: {  	p1 =	slt.u32 s9, $0xF7A;
	s5 =	simm.s32 @!p2 $0x0  }
0x1d: {  	s5 =	simm.s32 @p1 $0x1;
	p0 =	seq.s32 s7, s2  }
0x1e: {  	s7 =	smul.u32 @!p0 $0xF7A, s2;
	p2 =	seq.s32 @!p0 s5, $0x0  }
0x1f: {  	s9 =	smul.u32 $0xF7A, s1;
	s8 =	simm.s32 @!p0 $0x1BF5;
	p2 =	por !p2, p0  }
0x20: {  	[sflag:s8] =	ssyncset.s32 @!p0 $0xFFFFF086;
	s6 =	sadd.s32 @!p0 s3, s7;
	s7 =	simm.s32 @!p0 $0x108  }
0x21: {  	s3 =	sadd.s32 s3, s9;
	s6 =	sadd.s32 @!p0 $0x88, s6;
	s7 =	simm.s32 @p2 $0x1082  }
0x22: {  	[simem:s7], [sflag:s8] =	dma.local @!p0 [hbm:s6], $0xF7A  }
0x23: {  	s9 =	sor.u32 $0xD0000000, s2;
	s6 =	simm.s32 $0x108;
	_ =	swait.ge @!p0 [sflag:s8], $0x0  }
0x24: {  	s3 =	sadd.s32 $0x88, s3;
	s6 =	simm.s32 @!p1 $0x1082;
	[sflag:s4] =	ssyncset.s32 $0xFFFFF086  }
0x25: {  	[simem:s6], [sflag:s4] =	dma.local [hbm:s3], $0xF7A  }
0x26: {  	[smem:$0x3F9D] =	sst s1;
	(tag) =	ssettag s2;
	_ =	strace s9  }
0x27: {  	s1 =	sld [smem:$0x3FAD]  }
0x28: {  	s2 =	sld [smem:$0x3FAE]  }
0x29: {  	s4 =	sld [smem:$0x3FB0]  }
0x2a: {  	p0 =	seq.s32 s5, $0x0;
	s5 =	sld [smem:$0x3FB1]  }
0x2b: {  	s6 =	sld [smem:$0x3FB2]  }
0x2c: {  	s7 =	sld [smem:$0x3FB3]  }
0x2d: {  	s3 =	simm.s32 $0x108;
	s8 =	sld [smem:$0x3FB4]  }
0x2e: {  	s3 =	simm.s32 @!p0 $0x1082;
	s9 =	sld [smem:$0x3FB5]  }
0x2f: {  	lr =	sadd.s32 s0, s3;
	s0 =	sld [smem:$0x3FAC]  }
0x30: {  	s3 =	sld [smem:$0x3FAF]  }
0x31: {  	[smem:$0x3FB8] =	sst s10  }
0x32: {  	s10 =	sld [smem:$0x3FB6];
	_ =	sdelay $0x3  }
0x33: {  	p0 =	seq.s32 s10, $0x1;
	s10 =	sld [smem:$0x3FB8];
	_ =	sdelay $0x3  }
0x34: {  	[smem:$0x3FB8] =	sst s10  }
0x35: {  	s10 =	sld [smem:$0x3FB7];
	_ =	sdelay $0x3  }
0x36: {  	p1 =	seq.s32 s10, $0x1;
	s10 =	sld [smem:$0x3FB8];
	_ =	sdelay $0x3  }
0x37: {  	[smem:$0x3FB8] =	sst s10  }
0x38: {  	s10 =	sld [smem:$0x3FB9]  }
0x39: {  	_ = 	snop;
	(pc) =	sbr.ind lr, $3  }
0x3a: {  	_ = 	snop  }
0x3b: {  	_ = 	snop  }
0x3c: {  	p2 =	seq.s32 s10, $0x1;
	s10 =	sld [smem:$0x3FB8]  }
0x3d: {  	_ =	shalt  }
0x3e: {  	_ =	shalt  }
0x3f: {  	_ =	shalt  }
0x40: {  	_ =	shalt  }
0x41: {  	_ =	shalt  }
0x42: {  	_ =	shalt  }
0x43: {  	_ =	shalt  }
0x44: {  	_ =	shalt  }
0x45: {  	_ =	shalt  }
0x46: {  	_ =	shalt  }
0x47: {  	_ =	shalt  }
0x48: {  	_ =	shalt  }
0x49: {  	_ =	shalt  }
0x4a: {  	_ =	shalt  }
0x4b: {  	_ =	shalt  }
0x4c: {  	_ =	shalt  }
0x4d: {  	_ =	shalt  }
0x4e: {  	_ =	shalt  }
0x4f: {  	_ =	shalt  }
0x50: {  	_ =	shalt  }
0x51: {  	_ =	shalt  }
0x52: {  	_ =	shalt  }
0x53: {  	_ =	shalt  }
0x54: {  	_ =	shalt  }
0x55: {  	_ =	shalt  }
0x56: {  	_ =	shalt  }
0x57: {  	_ =	shalt  }
0x58: {  	_ =	shalt  }
0x59: {  	_ =	shalt  }
0x5a: {  	_ =	shalt  }
0x5b: {  	_ =	shalt  }
0x5c: {  	_ =	shalt  }
0x5d: {  	_ =	shalt  }
0x5e: {  	_ =	shalt  }
0x5f: {  	_ =	shalt  }
0x60: {  	_ =	shalt  }
0x61: {  	_ =	shalt  }
0x62: {  	_ =	shalt  }
0x63: {  	_ =	shalt  }
0x64: {  	_ =	shalt  }
0x65: {  	_ =	shalt  }
0x66: {  	_ =	shalt  }
0x67: {  	_ =	shalt  }
0x68: {  	_ =	shalt  }
0x69: {  	_ =	shalt  }
0x6a: {  	_ =	shalt  }
0x6b: {  	_ =	shalt  }
0x6c: {  	_ =	shalt  }
0x6d: {  	_ =	shalt  }
0x6e: {  	_ =	shalt  }
0x6f: {  	_ =	shalt  }
0x70: {  	_ =	shalt  }
0x71: {  	_ =	shalt  }
0x72: {  	_ =	shalt  }
0x73: {  	_ =	shalt  }
0x74: {  	_ =	shalt  }
0x75: {  	_ =	shalt  }
0x76: {  	_ =	shalt  }
0x77: {  	_ =	shalt  }
0x78: {  	_ =	shalt  }
0x79: {  	_ =	shalt  }
0x7a: {  	_ =	shalt  }
0x7b: {  	_ =	shalt  }
0x7c: {  	_ =	shalt  }
0x7d: {  	_ =	shalt  }
0x7e: {  	_ =	shalt  }
0x7f: {  	_ =	shalt  }
0x80: {  	_ =	shalt  }
0x81: {  	_ =	shalt  }
0x82: {  	_ =	shalt  }
0x83: {  	_ =	shalt  }
0x84: {  	_ =	shalt  }
0x85: {  	_ =	shalt  }
0x86: {  	_ =	shalt  }
0x87: {  	_ =	shalt  }
.Lfunc_end0:
.L_simem_size_0:
called_computation_lowered:
.L_overlay_start_0:
0x88: {  	s2 =	sld [smem:$0x3FD9]  }
0x89: {  	s3 =	sld [smem:$0x3FFE];
	_ =	sdelay $0x1  }
0x8a: {  	s1 =	srdreg.scid  }
0x8b: {  	s0 =	sand.u32 $0x1, s1  }
0x8c: {  	s14 =	sshll.u32 s0, $0xA;
	s2 =	sadd.s32 s3, s2  }
0x8d: {  	s2 =	sadd.s32 s2, s14  }
0x8e: {  	[smem:$0x3FC4] =	sst s2  }
0x8f: {  	_ = 	snop  }
0x90: {  	s2 =	sld [smem:$0x3FD0];
	_ =	sdelay $0x2  }
0x91: {  	s4 =	simm.s32 $0xA;
	s5 =	simm.s32 $0x10;
	s15 =	sld [smem:$0x3FC8]  }
0x92: {  	[smem:s5], [sflag:s4] =	dma.local [hbm:s2], $0x1  }
0x93: {  	_ =	swait.eq [sflag:s4], $0x1  }
0x94: {  	s16 =	sld [smem:$0x11];
	[sflag:s4] =	ssyncset.done $0x0  }
0x95: {  	s17 =	sld [smem:$0x12];
	[sflag:s4] =	ssyncadd.s32 $0xFFFFFFFF  }
0x96: {  	s18 =	sld [smem:$0x13];
	(tm) =	ssettm $0x1  }
0x97: {  	s6 =	sld [smem:$0x3FFB];
	_ =	sdelay $0x3  }
0x98: {  	_ =	strace s6  }
0x99: {  	s6 =	sld [smem:$0x3FFC];
	_ =	sdelay $0x3  }
0x9a: {  	_ =	strace s6  }
0x9b: {  	s6 =	sld [smem:$0x3FFD];
	_ =	sdelay $0x3  }
0x9c: {  	_ =	strace s6  }
0x9d: {  	_ =	strace $0x8FFFFFFF  }
0x9e: {  	s19 =	sld [smem:$0x3FDB];
	_ =	sdelay $0x1  }
0x9f: {  	s7 =	simm.s32 $_scs_section_size  }
0xa0: {  	s8 =	simm.s32 $_size__tile_overlayer_lowered;
	s9 =	simm.s32 $_tile_overlayer_lowered  }
0xa1: {  	s22 =	simm.s32 $0x1BFF;
	s21 =	sshll.u32 s9, $0x1;
	s6 =	sadd.s32 s7, s19  }
0xa2: {  	s10 =	simm.s32 $0x0;
	s20 =	sshll.u32 s8, $0x1;
	s8 =	sadd.s32 s21, s6  }
0xa3: {  	[timem:s10], [sflag:s22] =	dma.local [hbm:s8], s20  }
0xa4: {  	_ =	swait.ge [sflag:s22], s20  }
0xa5: {  	s7 =	ssub.s32 $0x0, s20;
	[sflag:s22] =	ssyncset.done $0x0  }
0xa6: {  	[sflag:s22] =	ssyncadd.s32 s7;
	_ =	sdelay $0x1  }
0xa7: {  	s23 =	simm.s32 $0x1B8B  }
0xa8: {  	_ =	swait.ge [sflag:s23], $0x1  }
0xa9: {  	[sflag:s23] =	ssyncset.done $0x0  }
0xaa: {  	s25 =	simm.s32 $0x1B8E;
	s24 =	sld [smem:$0x3FFE];
	[sflag:s23] =	ssyncadd.s32 $0xFFFFFFFF  }
0xab: {  	s26 =	simm.s32 $execute0_lowered;
	[smem:$0x3FD2] =	sst s25  }
0xac: {  	s8 =	sshll.u32 s26, $0x1;
	_ =	strace $0x80000046;
	[dreg:$0x1] =	wrdreg $0xFFFFFFFF  }
0xad: {  	s28 =	simm.s32 $_size_execute0_lowered;
	s6 =	sadd.s32 s6, s8;
	[dreg:$0x0] =	wrdreg $0x0  }
0xae: {  	s8 =	sshll.u32 s28, $0x1;
	[dreg:$0x2] =	wrdreg s6  }
0xaf: {  	[dreg:$0x3] =	wrdreg s8  }
0xb0: {  	[dreg:$0x4] =	wrdreg $0xC0  }
0xb1: {  	_ =	task [dreg:s10], $0x5FFFF  }
0xb2: {  	[dreg:$0x1] =	wrdreg $0xFFFFFFFF  }
0xb3: {  	[dreg:$0x0] =	wrdreg $0x60  }
0xb4: {  	[dreg:$0x2] =	wrdreg s15  }
0xb5: {  	[dreg:$0x3] =	wrdreg s24  }
0xb6: {  	[dreg:$0x4] =	wrdreg s17  }
0xb7: {  	[dreg:$0x5] =	wrdreg s18  }
0xb8: {  	[dreg:$0x6] =	wrdreg s16  }
0xb9: {  	[dreg:$0x7] =	wrdreg $0x9  }
0xba: {  	_ =	task.clear_ibuf [dreg:s10], $0x8FFFF;
	_ =	strace $0x90000046  }
0xbb: {  	s29 =	simm.s32 $0x9;
	_ =	strace $0x80000048  }
0xbc: {  	_ =	swait.ge [sflag:s29], $0x1  }
0xbd: {  	[sflag:s29] =	ssyncadd.s32 $0xFFFFFFFF  }
0xbe: {  	_ =	strace $0x90000048  }
0xbf: {  	_ =	sfence  }
0xc0: {  	s30 =	sld [smem:$0x0];
	_ =	sdelay $0x2  }
0xc1: {  	s31 =	sshll.u32 s1, $0xD;
	s1 =	sshrl.u32 s1, $0x2  }
0xc2: {  	s3 =	sand.u32 $0x4000, s31;
	s1 =	sadd.s32 s1, s30  }
0xc3: {  	s0 =	sor.u32 s3, s0;
	s1 =	sshll.u32 s1, $0x11  }
0xc4: {  	s0 =	sor.u32 s1, s0  }
0xc5: {  	s0 =	sadd.s32 $0x8F2B, s0  }
0xc6: {  	[sflag:s0] =	ssyncadd.remote.s32 $0x1  }
0xc7: {  	_ =	sfence.sel $0xFFFF  }
0xc8: {  	[dreg:$0x0] =	wrdreg $0xFFFFFFFF;
	(pc) =	sbr.abs _section_cstart, $3  }
0xc9: {  	[dreg:$0x1] =	wrdreg $0xFFFFFFFF  }
0xca: {  	_ =	task.clear_ibuf [dreg:s10], $0x2FFFF;
	_ =	strace $0x9FFFFFFF  }
0xcb: {  	(tm) =	ssettm $0x7FFFFFFF  }
tec
execute0_lowered:
.L_overlay_start_1:
0x0: {  	(tag) =	ssettag $0x1  }
0x1: {  	s1 =	srdreg.scid  }
0x2: {  	s2 =	rddreg [dreg:$0x0];
	s4 =	sand.u32 $0x1, s1  }
0x3: {  	s3 =	rddreg [dreg:$0x1];
	s29 =	ssub.s32 $0x2, s4  }
0x4: {  	s5 =	rddreg [dreg:$0x2];
	s9 =	simm.s32 $0x0;
	s11 =	sshrl.u32 s29, $0x1  }
0x5: {  	[smem:$0x7FF] =	sst s9;
	s9 =	ssub.s32 s29, s11  }
0x6: {  	s6 =	rddreg [dreg:$0x3];
	s0 =	stileid.u32;
	s9 =	smax.u32 s9, $0x1  }
0x7: {  	s8 =	rddreg [dreg:$0x4];
	s7 =	sshll.u32 s0, $0x1;
	s17 =	sadd.s32 $0xFFFFFFFF, s9  }
0x8: {  	p1 =	por $0x0, $0x0;
	s10 =	sor.u32 s4, s7;
	p2 =	sne.s32 s17, $0x0  }
.Ltmp0:
0x9: {  	s1 =	rddreg [dreg:$0x5];
	s7 =	sshll.u32 s10, $0x3;
	(pc) =	sbr.rel @!p2 .LBB2_3-.Ltmp0, $4  }
0xa: {  	p0 =	sgt.u32 s0, $0x7;
	_ =	strace $0x80000047;
	s7 =	sadd.s32 $0xFFFFFF80, s7  }
0xb: {  	s4 =	sadd.s32 $0xE00, s3;
	s31 =	sshll.u32 s10, $0x8;
	s30 =	sshll.u32 s7, $0x4  }
0xc: {  	s5 =	sadd.s32 s5, s10;
	s7 =	sshrl.u32 s7, $0x3;
	s3 =	sadd.s32 s30, s3  }
0xd: {  	vm0 =	vmmov @!p0 $0xffff;
	s7 =	sadd.s32 s6, s7;
	s6 =	sadd.s32 $0x1600, s3;
	s3 =	sadd.s32 s8, s31  }
0xe: {  	s8 =	simm.s32 @p0 $0x0;
	s9 =	simm.s32 @p0 $0x2  }
0xf: {  	[tilespmem:s8], [sflag:$0x2] =	stream.linear.gather @p0 [hbm4b:s7+s8], $0x8, $0x38;
	[tilespmem:$0xC80] =	vst v63  }
0x10: {  	_ =	swait.ge @p0 [sflag:s9], $0x8  }
0x11: {  	s10 =	simm.s32 @p0 $0x1;
	[sflag:s9] =	ssyncset.done @p0 $0x0  }
0x12: {  	s11 =	simm.s32 @p0 $0x8;
	s12 =	simm.s32 @p0 $0x880;
	[sflag:s9] =	ssyncadd.s32 @p0 $0xFFFFFFF8  }
0x13: {  	[tilespmem:s12], [sflag:$0x1] =	stream.indirect.gather @p0 [hbm4b:s4+s11], $0x80, s8, s11, $0xb8;
	[tilespmem:$0xC80] =	vst v63  }
0x14: {  	_ =	swait.ge @p0 [sflag:s10], $0x400  }
0x15: {  	[sflag:s10] =	ssyncset.done @p0 $0x0  }
0x16: {  	[sflag:s10] =	ssyncadd.s32 @p0 $0xFFFFFC00  }
0x17: {  	[hbm4b:s6+s8] =	stream.linear.scatter @p0 [tilespmem:s12], [sflag:$0x2], $0x400, $0x38;
	[tilespmem:$0xC80] =	vst v63  }
0x18: {  	_ =	swait.ge @p0 [sflag:s9], $0x400  }
0x19: {  	[sflag:s9] =	ssyncset.done @p0 $0x0  }
0x1a: {  	s14 =	simm.s32 @!p0 $0x0;
	s13 =	simm.s32 @!p0 $0x2;
	[sflag:s9] =	ssyncadd.s32 @p0 $0xFFFFFC00  }
0x1b: {  	[tilespmem:s14], [sflag:$0x2] =	stream.linear.gather @!p0 [hbm4b:s5+s14], $0x8, $0x38;
	[tilespmem:$0xC80] =	vst v63  }
0x1c: {  	_ =	swait.ge @!p0 [sflag:s13], $0x8  }
0x1d: {  	[sflag:s13] =	ssyncset.done @!p0 $0x0  }
0x1e: {  	[sflag:s13] =	ssyncadd.s32 @!p0 $0xFFFFFFF8  }
0x1f: {  	v0 =	vld.msk @!p0 [tilespmem:$0x0], $0xff;
	_ =	sdelay $0x4  }
0x20: {  	v1 =	vshll.u32 @!p0 v0, $0x1  }
0x21: {  	v2 =	vlaneseq.u32 @!p0;
	v0 =	vand.u32 @!p0 $0x7, v0;
	v1 =	vand.u32 @!p0 $0xFFFFFFF0, v1  }
0x22: {  	v1 =	vor.u32 @!p0 v0, v1;
	v0 =	vand.u32 @!p0 $0x7, v2;
	v2 =	vshrl.u32 @!p0 v2, $0x3  }
0x23: {  	v3 =	vperm.xlane @!p0 v1, v0;
	v1 =	vmul.u32 @!p0 $0x8, v2;
	_ =	sdelay $0x1  }
0x24: {  	v2 =	vadd.s32 @!p0 v1, v3;
	_ =	sdelay $0x3  }
0x25: {  	s15 =	simm.s32 @!p0 $0x80;
	s16 =	simm.s32 @!p0 $0x1;
	s17 =	sadd.s32 $0xFFFFFFFF, s17  }
0x26: {  	[tilespmem:s15], [sflag:$0x1] =	stream.indirect_vreg.gather @!p0 [hbm4b:s2+s14], $0x80, v2, vm0, $0xb8;
	[tilespmem:$0xC80] =	vst v63  }
0x27: {  	p2 =	sne.s32 s17, $0x0;
	_ =	swait.ge @!p0 [sflag:s16], $0x800  }
.Ltmp1:
0x28: {  	[sflag:s16] =	ssyncset.done @!p0 $0x0;
	(pc) =	sbr.rel @!p2 .LBB2_3-.Ltmp1, $4  }
0x29: {  	[sflag:s16] =	ssyncadd.s32 @!p0 $0xFFFFF800  }
0x2a: {  	[hbm4b:s3+s14] =	stream.linear.scatter @!p0 [tilespmem:s15], [sflag:$0x2], $0x800, $0x38;
	[tilespmem:$0xC80] =	vst v63  }
0x2b: {  	_ =	swait.ge @!p0 [sflag:s13], $0x800  }
0x2c: {  	p1 =	por $0x1, $0x1;
	[sflag:s13] =	ssyncset.done @!p0 $0x0  }
.LBB2_2:
0x2d: {  	[sflag:s13] =	ssyncadd.s32 @!p0 $0xFFFFF800  }
0x2e: {  	[tilespmem:s8], [sflag:$0x2] =	stream.linear.gather @p0 [hbm4b:s7+s8], $0x8, $0x38;
	[tilespmem:$0xC80] =	vst v63  }
0x2f: {  	s17 =	sadd.s32 $0xFFFFFFFF, s17;
	_ =	swait.ge @p0 [sflag:s9], $0x8  }
0x30: {  	p2 =	sne.s32 s17, $0x0;
	[sflag:s9] =	ssyncset.done @p0 $0x0  }
0x31: {  	[sflag:s9] =	ssyncadd.s32 @p0 $0xFFFFFFF8  }
0x32: {  	[tilespmem:s12], [sflag:$0x1] =	stream.indirect.gather @p0 [hbm4b:s4+s11], $0x80, s8, s11, $0xb8;
	[tilespmem:$0xC80] =	vst v63  }
0x33: {  	_ =	swait.ge @p0 [sflag:s10], $0x400  }
0x34: {  	[sflag:s10] =	ssyncset.done @p0 $0x0  }
0x35: {  	[sflag:s10] =	ssyncadd.s32 @p0 $0xFFFFFC00  }
0x36: {  	[hbm4b:s6+s8] =	stream.linear.scatter @p0 [tilespmem:s12], [sflag:$0x2], $0x400, $0x38;
	[tilespmem:$0xC80] =	vst v63  }
0x37: {  	_ =	swait.ge @p0 [sflag:s9], $0x400  }
0x38: {  	[sflag:s9] =	ssyncset.done @p0 $0x0  }
0x39: {  	[sflag:s9] =	ssyncadd.s32 @p0 $0xFFFFFC00  }
0x3a: {  	[tilespmem:s14], [sflag:$0x2] =	stream.linear.gather @!p0 [hbm4b:s5+s14], $0x8, $0x38;
	[tilespmem:$0xC80] =	vst v63  }
0x3b: {  	_ =	swait.ge @!p0 [sflag:s13], $0x8  }
0x3c: {  	[sflag:s13] =	ssyncset.done @!p0 $0x0  }
0x3d: {  	[sflag:s13] =	ssyncadd.s32 @!p0 $0xFFFFFFF8  }
0x3e: {  	v2 =	vld.msk @!p0 [tilespmem:$0x0], $0xff;
	_ =	sdelay $0x4  }
0x3f: {  	v3 =	vshll.u32 @!p0 v2, $0x1  }
0x40: {  	v2 =	vand.u32 @!p0 $0x7, v2;
	v3 =	vand.u32 @!p0 $0xFFFFFFF0, v3  }
0x41: {  	v2 =	vor.u32 @!p0 v2, v3  }
0x42: {  	v2 =	vperm.xlane @!p0 v2, v0;
	_ =	sdelay $0x1  }
0x43: {  	v2 =	vadd.s32 @!p0 v1, v2;
	_ =	sdelay $0x4  }
0x44: {  	[tilespmem:s15], [sflag:$0x1] =	stream.indirect_vreg.gather @!p0 [hbm4b:s2+s14], $0x80, v2, vm0, $0xb8;
	[tilespmem:$0xC80] =	vst v63  }
0x45: {  	_ =	swait.ge @!p0 [sflag:s16], $0x800  }
.Ltmp2:
0x46: {  	[sflag:s16] =	ssyncset.done @!p0 $0x0;
	(pc) =	sbr.rel @p2 .LBB2_2-.Ltmp2, $4  }
0x47: {  	[sflag:s16] =	ssyncadd.s32 @!p0 $0xFFFFF800  }
0x48: {  	[hbm4b:s3+s14] =	stream.linear.scatter @!p0 [tilespmem:s15], [sflag:$0x2], $0x800, $0x38;
	[tilespmem:$0xC80] =	vst v63  }
0x49: {  	_ =	swait.ge @!p0 [sflag:s13], $0x800  }
0x4a: {  	[sflag:s13] =	ssyncset.done @!p0 $0x0  }
.LBB2_3:
0x4b: {  	p1 =	por p0, !p1  }
0x4c: {  	s8 =	simm.s32 @p0 $0x0;
	s9 =	simm.s32 @p0 $0x2;
	[sflag:s13] =	ssyncadd.s32 @!p1 $0xFFFFF800  }
0x4d: {  	[tilespmem:s8], [sflag:$0x2] =	stream.linear.gather @p0 [hbm4b:s7+s8], $0x8, $0x38;
	[tilespmem:$0xC80] =	vst v63  }
0x4e: {  	_ =	swait.ge @p0 [sflag:s9], $0x8  }
0x4f: {  	s10 =	simm.s32 @p0 $0x8;
	[sflag:s9] =	ssyncset.done @p0 $0x0  }
0x50: {  	s11 =	simm.s32 @p0 $0x880;
	s7 =	simm.s32 @p0 $0x1;
	[sflag:s9] =	ssyncadd.s32 @p0 $0xFFFFFFF8  }
0x51: {  	[tilespmem:s11], [sflag:$0x1] =	stream.indirect.gather @p0 [hbm4b:s4+s10], $0x80, s8, s10, $0xb8;
	[tilespmem:$0xC80] =	vst v63  }
0x52: {  	_ =	swait.ge @p0 [sflag:s7], $0x400  }
0x53: {  	[sflag:s7] =	ssyncset.done @p0 $0x0  }
0x54: {  	[sflag:s7] =	ssyncadd.s32 @p0 $0xFFFFFC00  }
0x55: {  	[hbm4b:s6+s8] =	stream.linear.scatter @p0 [tilespmem:s11], [sflag:$0x2], $0x400, $0x38;
	[tilespmem:$0xC80] =	vst v63  }
0x56: {  	_ =	swait.ge @p0 [sflag:s9], $0x400  }
0x57: {  	[sflag:s9] =	ssyncset.done @p0 $0x0  }
0x58: {  	s4 =	simm.s32 @!p0 $0x0;
	s6 =	simm.s32 @!p0 $0x2;
	[sflag:s9] =	ssyncadd.s32 @p0 $0xFFFFFC00  }
0x59: {  	[tilespmem:s4], [sflag:$0x2] =	stream.linear.gather @!p0 [hbm4b:s5+s4], $0x8, $0x38;
	[tilespmem:$0xC80] =	vst v63  }
0x5a: {  	_ =	swait.ge @!p0 [sflag:s6], $0x8  }
0x5b: {  	[sflag:s6] =	ssyncset.done @!p0 $0x0  }
0x5c: {  	[sflag:s6] =	ssyncadd.s32 @!p0 $0xFFFFFFF8  }
0x5d: {  	v0 =	vld.msk @!p0 [tilespmem:$0x0], $0xff;
	_ =	sdelay $0x4  }
0x5e: {  	v1 =	vshll.u32 @!p0 v0, $0x1  }
0x5f: {  	v2 =	vlaneseq.u32 @!p0;
	v0 =	vand.u32 @!p0 $0x7, v0;
	v1 =	vand.u32 @!p0 $0xFFFFFFF0, v1  }
0x60: {  	v0 =	vor.u32 @!p0 v0, v1;
	v1 =	vand.u32 @!p0 $0x7, v2;
	v2 =	vshrl.u32 @!p0 v2, $0x3  }
0x61: {  	v0 =	vperm.xlane @!p0 v0, v1;
	v1 =	vmul.u32 @!p0 $0x8, v2;
	_ =	sdelay $0x1  }
0x62: {  	v0 =	vadd.s32 @!p0 v1, v0;
	_ =	sdelay $0x3  }
0x63: {  	s7 =	simm.s32 @!p0 $0x1;
	s5 =	simm.s32 @!p0 $0x80  }
0x64: {  	[tilespmem:s5], [sflag:$0x1] =	stream.indirect_vreg.gather @!p0 [hbm4b:s2+s4], $0x80, v0, vm0, $0xb8;
	[tilespmem:$0xC80] =	vst v63  }
0x65: {  	_ =	swait.ge @!p0 [sflag:s7], $0x800  }
0x66: {  	[sflag:s7] =	ssyncset.done @!p0 $0x0  }
0x67: {  	[sflag:s7] =	ssyncadd.s32 @!p0 $0xFFFFF800  }
0x68: {  	[hbm4b:s3+s4] =	stream.linear.scatter @!p0 [tilespmem:s5], [sflag:$0x2], $0x800, $0x38;
	[tilespmem:$0xC80] =	vst v63  }
0x69: {  	_ =	swait.ge @!p0 [sflag:s6], $0x800  }
0x6a: {  	[sflag:s6] =	ssyncset.done @!p0 $0x0  }
0x6b: {  	[sflag:s6] =	ssyncadd.s32 @!p0 $0xFFFFF800  }
0x6c: {  	_ =	sfence.sel $0x180000  }
0x6d: {  	[bflag:$0x0] =	sbarrier.arrive $0xFFFF  }
0x6e: {  	p0 =	sne.s32 s0, $0x0;
	_ =	strace $0x90000047  }
0x6f: {  	s0 =	sadd.s32 @!p0 $0x100000, s1;
	[bflag:$0x2] =	sbarrier.arrive $0xFFFF  }
0x70: {  	[sflag:s0] =	ssyncadd.tile.s32 @!p0 $0x1;
	_ =	shalt  }
.Lfunc_end2:
_tile_overlayer_lowered:
.L_overlay_start_2:
0x71: {  	(tag) =	ssettag $0x2  }
0x72: {  	s0 =	rddreg [dreg:$0x0];
	s2 =	stileid.u32  }
0x73: {  	s1 =	rddreg [dreg:$0x1];
	p0 =	sne.s32 s2, $0x0  }
0x74: {  	s3 =	rddreg [dreg:$0x2];
	[bflag:$0x3] =	sbarrier.arrive $0xFFFF;
	s2 =	simm.s32 @!p0 $0x1C02  }
0x75: {  	[timem:s3], [sflag:s2] =	dma.local @!p0 [hbm:s0], s1  }
0x76: {  	s0 =	simm.s32 @!p0 $0x2  }
0x77: {  	_ =	swait.ge @!p0 [sflag:s0], s1  }
0x78: {  	s1 =	ssub.s32 @!p0 $0x0, s1;
	[sflag:s0] =	ssyncset.done @!p0 $0x0  }
0x79: {  	[sflag:s0] =	ssyncadd.s32 @!p0 s1  }
0x7a: {  	[bflag:$0x3] =	sbarrier.arrive $0xFFFF  }
0x7b: {  	_ =	shalt  }

</sc_bundles>
